<compile_context>
chip_gen: v7x
topology: tpu7x:2x2x1
jax: 0.10.2.dev20260603
libtpu: 0.0.44.dev20260713+nightly
codegen_flags: <defaults>
</compile_context>

<pallas_src>
import functools

import jax
import jax.numpy as jnp
from jax import lax
from jax.experimental import pallas as pl
from jax.experimental.pallas import tpu as pltpu
from jax.experimental.pallas import tpu_sc as plsc

NC = 2
NS = 16
NW = NC * NS
CHUNK = 125


NPH = 3
AROWS = 3456


def _make_sc_agg(n, d, e):
    arows = AROWS
    urows = arows
    npad = NPH * urows
    zpt = arows // NS
    upt = urows // NS
    ept = e // NS
    nit = ept // CHUNK
    mesh = plsc.VectorSubcoreMesh(core_axis_name="c", subcore_axis_name="s",
                                  num_cores=1)

    @functools.partial(
        pl.kernel,
        mesh=mesh,
        out_type=jax.ShapeDtypeStruct((npad, d), jnp.float32),
        scratch_types=[
            pltpu.VMEM((nit, CHUNK), jnp.int32),
            pltpu.VMEM((nit, CHUNK), jnp.int32),
            pltpu.VMEM((CHUNK, d), jnp.float32),
            pltpu.VMEM((CHUNK, d), jnp.float32),
            pltpu.VMEM((zpt, d), jnp.float32),
            pltpu.VMEM_SHARED((arows, d), jnp.float32),
            pltpu.SemaphoreType.DMA,
            pltpu.SemaphoreType.DMA,
            pltpu.SemaphoreType.DMA,
            pltpu.SemaphoreType.DMA,
        ],
    )
    def agg(x_h, src3_h, dst3_h, z2_h, outp,
            sidx, didx, rowsa, rowsb, zbuf, acc, sema, semb, semsa, semsb):
        s = lax.axis_index("s")
        pltpu.sync_copy(z2_h, zbuf)
        for p in range(NPH):
            pltpu.sync_copy(src3_h.at[p, pl.ds(s * nit, nit)], sidx)
            pltpu.sync_copy(dst3_h.at[p, pl.ds(s * nit, nit)], didx)
            pltpu.sync_copy(zbuf, acc.at[pl.ds(s * zpt, zpt)])
            plsc.subcore_barrier()

            pltpu.async_copy(x_h.at[sidx.at[0]], rowsa, sema)

            def step2(jj, carry):
                j0 = 2 * jj
                j1 = 2 * jj + 1

                @pl.when(jj > 0)
                def _():
                    pltpu.make_async_copy(rowsb, acc.at[didx.at[j1 - 2]],
                                          semsb).wait()

                pltpu.async_copy(x_h.at[sidx.at[j1]], rowsb, semb)
                pltpu.make_async_copy(x_h.at[sidx.at[j0]], rowsa, sema).wait()
                pltpu.async_copy(rowsa, acc.at[didx.at[j0]], semsa, add=True)
                pltpu.make_async_copy(rowsa, acc.at[didx.at[j0]], semsa).wait()

                @pl.when(jj < nit // 2 - 1)
                def _():
                    pltpu.async_copy(x_h.at[sidx.at[j0 + 2]], rowsa, sema)

                pltpu.make_async_copy(x_h.at[sidx.at[j1]], rowsb, semb).wait()
                pltpu.async_copy(rowsb, acc.at[didx.at[j1]], semsb, add=True)
                return carry

            lax.fori_loop(0, nit // 2, step2, 0)
            pltpu.make_async_copy(rowsb, acc.at[didx.at[nit - 1]],
                                  semsb).wait()
            plsc.subcore_barrier()
            pltpu.sync_copy(acc.at[pl.ds(s * upt, upt)], zbuf)
            pltpu.sync_copy(zbuf, outp.at[pl.ds(p * urows + s * upt, upt)])
            plsc.subcore_barrier()
            pltpu.sync_copy(z2_h, zbuf)

    return agg, npad, urows


def _make_sc_deg(n, e):
    rows = 10240
    rpt = rows // NS
    ept = e // NS
    nit = ept // CHUNK
    mesh = plsc.VectorSubcoreMesh(core_axis_name="c", subcore_axis_name="s",
                                  num_cores=1)

    @functools.partial(
        pl.kernel,
        mesh=mesh,
        out_type=jax.ShapeDtypeStruct((rows,), jnp.float32),
        scratch_types=[
            pltpu.VMEM((nit, CHUNK), jnp.int32),
            pltpu.VMEM((CHUNK,), jnp.float32),
            pltpu.VMEM((rpt,), jnp.float32),
            pltpu.VMEM_SHARED((rows,), jnp.float32),
        ],
    )
    def deg(dst_h, z1_h, one_h, outd, didx, onesv, zd, dacc):
        s = lax.axis_index("s")
        pltpu.sync_copy(dst_h.at[pl.ds(s * nit, nit)], didx)
        pltpu.sync_copy(one_h, onesv)
        pltpu.sync_copy(z1_h, zd)
        pltpu.sync_copy(zd, dacc.at[pl.ds(s * rpt, rpt)])
        plsc.subcore_barrier()

        def step(j, carry):
            pltpu.sync_copy(onesv, dacc.at[didx.at[j]], add=True)
            return carry

        lax.fori_loop(0, nit, step, 0)
        plsc.subcore_barrier()
        pltpu.sync_copy(dacc.at[pl.ds(s * rpt, rpt)], zd)
        pltpu.sync_copy(zd, outd.at[pl.ds(s * rpt, rpt)])

    return deg, rows


def _make_sc_edge(n, e):
    epw = e // NW
    nit = epw // 16
    mesh = plsc.VectorSubcoreMesh(core_axis_name="c", subcore_axis_name="s")

    @functools.partial(
        pl.kernel,
        mesh=mesh,
        out_type=jax.ShapeDtypeStruct((2 * e,), jnp.float32),
        compiler_params=pltpu.CompilerParams(needs_layout_passes=False),
        scratch_types=[
            pltpu.VMEM((4 * n,), jnp.float32),
            pltpu.VMEM((epw,), jnp.int32),
            pltpu.VMEM((epw,), jnp.int32),
            pltpu.VMEM((2 * epw,), jnp.float32),
            pltpu.VMEM((2 * epw,), jnp.float32),
        ],
    )
    def edge(y_h, src_h, dst_h, contrib_h, out_h, ytab, sidx, didx, cv, obuf):
        c = lax.axis_index("c")
        s = lax.axis_index("s")
        wid = c * NS + s
        base = wid * epw
        pltpu.sync_copy(y_h, ytab)
        pltpu.sync_copy(src_h.at[pl.ds(base, epw)], sidx)
        pltpu.sync_copy(dst_h.at[pl.ds(base, epw)], didx)
        pltpu.sync_copy(contrib_h.at[pl.ds(2 * base, 2 * epw)], cv)
        iota = lax.broadcasted_iota(jnp.int32, (16,), 0)

        def step(i, carry):
            s16 = sidx[pl.ds(i * 16, 16)]
            d16 = didx[pl.ds(i * 16, 16)]
            r16 = i * 32 + 2 * iota
            v0 = plsc.load_gather(ytab, [s16 * 4])
            v1 = plsc.load_gather(ytab, [s16 * 4 + 1])
            v2 = plsc.load_gather(ytab, [d16 * 4 + 2])
            v3 = plsc.load_gather(ytab, [d16 * 4 + 3])
            g0 = plsc.load_gather(cv, [r16])
            g1 = plsc.load_gather(cv, [r16 + 1])
            plsc.store_scatter(obuf, [r16], v0 + v2 + g0)
            plsc.store_scatter(obuf, [r16 + 1], v1 + v3 + g1)
            return carry

        lax.fori_loop(0, nit, step, 0)
        pltpu.sync_copy(obuf, out_h.at[pl.ds(2 * base, 2 * epw)])

    return edge


def _tc_layer_body(x_ref, p_ref, dt_ref, wr_ref, wn_ref, b_ref, wsd_ref,
                   o_ref, y_ref):
    inv = 1.0 / jnp.maximum(dt_ref[...], 1.0)
    agg = p_ref[...] * inv
    h = (jnp.dot(x_ref[...], wr_ref[...], preferred_element_type=jnp.float32)
         + jnp.dot(agg, wn_ref[...], preferred_element_type=jnp.float32)
         + b_ref[...])
    xo = jnp.where(h > 0, h, jnp.exp(h) - 1.0)
    o_ref[...] = xo
    y_ref[...] = jnp.dot(xo, wsd_ref[...], preferred_element_type=jnp.float32)


def _tc_layer(x, p, degc, wr, wn, b, wsd, bn=2000):
    n, d = x.shape
    grid = (n // bn,)
    return pl.pallas_call(
        _tc_layer_body,
        grid=grid,
        in_specs=[
            pl.BlockSpec((bn, d), lambda i: (i, 0)),
            pl.BlockSpec((bn, d), lambda i: (i, 0)),
            pl.BlockSpec((bn, 1), lambda i: (i, 0)),
            pl.BlockSpec((d, d), lambda i: (0, 0)),
            pl.BlockSpec((d, d), lambda i: (0, 0)),
            pl.BlockSpec((1, d), lambda i: (0, 0)),
            pl.BlockSpec((d, 4), lambda i: (0, 0)),
        ],
        out_specs=[
            pl.BlockSpec((bn, d), lambda i: (i, 0)),
            pl.BlockSpec((bn, 4), lambda i: (i, 0)),
        ],
        out_shape=[
            jax.ShapeDtypeStruct((n, d), jnp.float32),
            jax.ShapeDtypeStruct((n, 4), jnp.float32),
        ],
    )(x, p, degc, wr, wn, b, wsd)


def _tc_contrib_body(ee_ref, se_ref, wee_ref, wse_ref, b_ref, o_ref):
    o_ref[...] = (
        jnp.dot(ee_ref[...], wee_ref[...], preferred_element_type=jnp.float32)
        + jnp.dot(se_ref[...], wse_ref[...], preferred_element_type=jnp.float32)
        + b_ref[...])


def _tc_contrib(ee, se, wee, wse, b2, be=1280):
    e, d = ee.shape
    sf = se.shape[1]
    return pl.pallas_call(
        _tc_contrib_body,
        grid=(e // be,),
        in_specs=[
            pl.BlockSpec((be, d), lambda i: (i, 0)),
            pl.BlockSpec((be, sf), lambda i: (i, 0)),
            pl.BlockSpec((d, 2), lambda i: (0, 0)),
            pl.BlockSpec((sf, 2), lambda i: (0, 0)),
            pl.BlockSpec((1, 2), lambda i: (0, 0)),
        ],
        out_specs=pl.BlockSpec((be, 2), lambda i: (i, 0)),
        out_shape=jax.ShapeDtypeStruct((e, 2), jnp.float32),
    )(ee, se, wee, wse, b2)


def _make_tc_pool(n, g):
    def body(x_ref, gid_ref, sgf_ref, srt_ref, wpx_ref, wps_ref, wrx_ref,
             wrs_ref, wcx_ref, wcs_ref, bp_ref, br_ref, bc_ref,
             prec_ref, rt_ref, ccs_ref):
        gid = gid_ref[...]
        oh = (lax.broadcasted_iota(jnp.int32, (g, n), 0) == gid)
        ohf = oh.astype(jnp.float32)
        accp = jnp.dot(ohf, x_ref[...], preferred_element_type=jnp.float32)
        accn = jnp.sum(ohf, axis=1, keepdims=True)
        pooled = accp / jnp.maximum(accn, 1.0)
        prec_ref[...] = (
            jnp.dot(pooled, wpx_ref[...], preferred_element_type=jnp.float32)
            + jnp.dot(sgf_ref[...], wps_ref[...], preferred_element_type=jnp.float32)
            + bp_ref[...])
        rt_ref[...] = (
            jnp.dot(pooled, wrx_ref[...], preferred_element_type=jnp.float32)
            + jnp.dot(srt_ref[...], wrs_ref[...], preferred_element_type=jnp.float32)
            + br_ref[...])
        ccs_ref[...] = (
            jnp.dot(pooled, wcx_ref[...], preferred_element_type=jnp.float32)
            + jnp.dot(srt_ref[...], wcs_ref[...], preferred_element_type=jnp.float32)
            + bc_ref[...])

    return body


def _tc_pool(x, gidf, sgf, srt, wpx, wps, wrx, wrs, wcx, wcs, bp, br, bc):
    n, d = x.shape
    g, sf = sgf.shape
    srf = srt.shape[1]
    return pl.pallas_call(
        _make_tc_pool(n, g),
        out_shape=[
            jax.ShapeDtypeStruct((g, 1), jnp.float32),
            jax.ShapeDtypeStruct((g, 1), jnp.float32),
            jax.ShapeDtypeStruct((g, 1), jnp.float32),
        ],
    )(x, gidf, sgf, srt, wpx, wps, wrx, wrs, wcx, wcs, bp, br, bc)


def kernel(node_embedding, edge_embedding, static_edge_features,
           static_graph_features, static_rt_graph_features, edge_index,
           graph_ids, W_root_0, W_nbr_0, b_0, W_root_1, W_nbr_1, b_1,
           W_root_2, W_nbr_2, b_2, We_o, be_o, Wp_o, bp_o, Wr_o, br_o,
           Wc_o, bc_o):
    n, d = node_embedding.shape
    e = edge_embedding.shape[0]
    g, sf = static_graph_features.shape

    agg_fn, npad, _ = _make_sc_agg(n, d, e)
    edge_fn = _make_sc_edge(n, e)

    src = edge_index[0]
    dst = edge_index[1]
    urows = AROWS
    inph = [(dst >= p * urows) & (dst < (p + 1) * urows) for p in range(NPH)]
    src3 = jnp.stack([
        jnp.where(inph[p], src, n + (dst & 127)) for p in range(NPH)
    ]).reshape(NPH, e // CHUNK, CHUNK)
    dst3 = jnp.stack([
        jnp.where(inph[p], dst - p * urows, dst % urows) for p in range(NPH)
    ]).reshape(NPH, e // CHUNK, CHUNK)
    zpt = AROWS // NS
    z2 = jnp.zeros((zpt, d), jnp.float32)
    zrows = jnp.zeros((128, d), jnp.float32)

    deg_fn, drows = _make_sc_deg(n, e)
    dst2 = dst.reshape(e // CHUNK, CHUNK)
    z1d = jnp.zeros((drows // NS,), jnp.float32)
    one1 = jnp.ones((CHUNK,), jnp.float32)
    degc = deg_fn(dst2, z1d, one1).reshape(drows, 1)

    wr_all = jnp.stack([W_root_0, W_root_1, W_root_2])
    wn_all = jnp.stack([W_nbr_0, W_nbr_1, W_nbr_2])
    b_all = jnp.stack([b_0, b_1, b_2]).reshape(3, 1, d)
    wsd = jnp.concatenate([We_o[0:d], We_o[d:2 * d]], axis=1)

    def layer_step(x, ws):
        wr, wn, b = ws
        xp = jnp.concatenate([x, zrows])
        p = agg_fn(xp, src3, dst3, z2)
        x2, y = _tc_layer(x, p, degc, wr, wn, b, wsd)
        return x2, y

    x, ys = lax.scan(layer_step, node_embedding, (wr_all, wn_all, b_all))
    y = ys[-1]

    contrib = _tc_contrib(edge_embedding, static_edge_features,
                          We_o[2 * d:3 * d], We_o[3 * d:], be_o.reshape(1, 2))
    edge_logits = edge_fn(y.reshape(-1), edge_index[0], edge_index[1],
                          contrib.reshape(-1))

    gidf = graph_ids.reshape(1, n)
    prec, rt, ccs = _tc_pool(
        x, gidf, static_graph_features, static_rt_graph_features,
        Wp_o[:d], Wp_o[d:], Wr_o[:d], Wr_o[d:], Wc_o[:d], Wc_o[d:],
        bp_o.reshape(1, 1), br_o.reshape(1, 1), bc_o.reshape(1, 1))

    return jnp.concatenate([edge_logits, prec.reshape(-1),
                            rt.reshape(-1), ccs.reshape(-1)])

# --- scband reference (transcript-rebuilt; emitter-appended) ---
"""Pipeline reference for scband-gnncompiler-65841848648313 (READ-ONLY COPY).

The authoritative reference and input builder live on the scoring server;
editing this copy changes nothing except your own understanding.
"""

import jax, jax.numpy as jnp
import numpy as np

N = 10000
E = 320000
D = 128
H = 128
G = 64
SF = 16
SRT = 8
OUT = 2
DEPTH = 3


def _elu(x):
    return jnp.where(x > 0, x, jnp.expm1(x))


def _glorot(key, shape):
    s = 1.0 / np.sqrt(shape[0])
    return jax.random.uniform(key, shape, jnp.float32, -s, s)


def setup_inputs(seed=0):
    key = jax.random.key(seed)
    ks = jax.random.split(key, 24)
    inp = {}
    inp["node_embedding"] = jax.random.normal(ks[0], (N, D), jnp.float32)
    inp["edge_embedding"] = jax.random.normal(ks[1], (E, D), jnp.float32)
    inp["static_edge_features"] = jax.random.normal(ks[2], (E, SF), jnp.float32)
    inp["static_graph_features"] = jax.random.normal(ks[3], (G, SF), jnp.float32)
    inp["static_rt_graph_features"] = jax.random.normal(ks[4], (G, SRT), jnp.float32)
    inp["edge_index"] = jax.random.randint(ks[5], (2, E), 0, N, jnp.int32)
    inp["graph_ids"] = jnp.sort(jax.random.randint(ks[6], (N,), 0, G, jnp.int32))
    fan = D
    k = 7
    for i in range(DEPTH):
        inp[f"W_root_{i}"] = _glorot(ks[k], (fan, H)); k += 1
        inp[f"W_nbr_{i}"] = _glorot(ks[k], (fan, H)); k += 1
        inp[f"b_{i}"] = jnp.zeros((H,), jnp.float32)
        fan = H
    Fe = 2 * H + D + SF
    inp["We_o"] = _glorot(ks[k], (Fe, OUT)); k += 1
    inp["be_o"] = jnp.zeros((OUT,), jnp.float32)
    Fp = H + SF
    inp["Wp_o"] = _glorot(ks[k], (Fp, 1)); k += 1
    inp["bp_o"] = jnp.zeros((1,), jnp.float32)
    Fr = H + SRT
    inp["Wr_o"] = _glorot(ks[k], (Fr, 1)); k += 1
    inp["br_o"] = jnp.zeros((1,), jnp.float32)
    inp["Wc_o"] = _glorot(ks[k], (Fr, 1)); k += 1
    inp["bc_o"] = jnp.zeros((1,), jnp.float32)
    return inp


def _forward(fd, edge_index, graph_ids):
    src = edge_index[0]
    dst = edge_index[1]
    x = fd["node_embedding"]
    # GNN: depth x GraphConv with aggr='mean' (PyG: x' = W_root x + W_nbr * mean_{j->i} x_j + b), ELU between layers
    deg = jnp.clip(jax.ops.segment_sum(jnp.ones((E,), jnp.float32), dst, num_segments=N), 1.0, None)
    for i in range(DEPTH):
        agg = jax.ops.segment_sum(x[src], dst, num_segments=N) / deg[:, None]
        x = _elu(x @ fd[f"W_root_{i}"] + agg @ fd[f"W_nbr_{i}"] + fd[f"b_{i}"])
    # EdgePredictor: concat node pairs + edge embedding + static edge features -> linear output (dense_depth=0)
    Xe = jnp.concatenate([x[src], x[dst], fd["edge_embedding"], fd["static_edge_features"]], axis=1)
    edge_logits = Xe @ fd["We_o"] + fd["be_o"]
    # GraphPredictor heads: global mean pool + concat static covariates -> linear output
    nper = jnp.clip(jax.ops.segment_sum(jnp.ones((N,), jnp.float32), graph_ids, num_segments=G), 1.0, None)
    pooled = jax.ops.segment_sum(x, graph_ids, num_segments=G) / nper[:, None]
    prec = jnp.concatenate([pooled, fd["static_graph_features"]], axis=1) @ fd["Wp_o"] + fd["bp_o"]
    rt = jnp.concatenate([pooled, fd["static_rt_graph_features"]], axis=1) @ fd["Wr_o"] + fd["br_o"]
    ccs = jnp.concatenate([pooled, fd["static_rt_graph_features"]], axis=1) @ fd["Wc_o"] + fd["bc_o"]
    # compile_output analogue: flat vector of edge values followed by graph-level values
    return jnp.concatenate([edge_logits.reshape(-1), prec.reshape(-1), rt.reshape(-1), ccs.reshape(-1)])


def reference(node_embedding, edge_embedding, static_edge_features,
              static_graph_features, static_rt_graph_features, edge_index,
              graph_ids, W_root_0, W_nbr_0, b_0, W_root_1, W_nbr_1, b_1,
              W_root_2, W_nbr_2, b_2, We_o, be_o, Wp_o, bp_o, Wr_o, br_o,
              Wc_o, bc_o):
    fd = {
        "node_embedding": node_embedding,
        "edge_embedding": edge_embedding,
        "static_edge_features": static_edge_features,
        "static_graph_features": static_graph_features,
        "static_rt_graph_features": static_rt_graph_features,
        "W_root_0": W_root_0, "W_nbr_0": W_nbr_0, "b_0": b_0,
        "W_root_1": W_root_1, "W_nbr_1": W_nbr_1, "b_1": b_1,
        "W_root_2": W_root_2, "W_nbr_2": W_nbr_2, "b_2": b_2,
        "We_o": We_o, "be_o": be_o,
        "Wp_o": Wp_o, "bp_o": bp_o,
        "Wr_o": Wr_o, "br_o": br_o,
        "Wc_o": Wc_o, "bc_o": bc_o,
    }
    return _forward(fd, edge_index, graph_ids)

if __name__ == "__main__":
    import jax
    _d = setup_inputs()
    print(jax.jit(kernel)(*tuple(_d.values())))

</pallas_src>

<mosaic_0001>
#map = affine_map<(d0, d1) -> (0)>
module attributes {stable_mosaic.version = 14 : i64} {
  func.func @edge(%arg0: i32, %arg1: i32, %arg2: memref<40000xf32, #tpu.memory_space<hbm>>, %arg3: memref<320000xi32, #tpu.memory_space<hbm>>, %arg4: memref<320000xi32, #tpu.memory_space<hbm>>, %arg5: memref<640000xf32, #tpu.memory_space<hbm>>, %arg6: memref<640000xf32, #tpu.memory_space<hbm>>, %arg7: memref<40000xf32, #tpu.memory_space<vmem>>, %arg8: memref<10000xi32, #tpu.memory_space<vmem>>, %arg9: memref<10000xi32, #tpu.memory_space<vmem>>, %arg10: memref<20000xf32, #tpu.memory_space<vmem>>, %arg11: memref<20000xf32, #tpu.memory_space<vmem>>) attributes {dimension_semantics = [#tpu.dimension_semantics<core_parallel>, #tpu.dimension_semantics<subcore_parallel>], iteration_bounds = array<i64: 2, 16>, scalar_prefetch = 0 : i64, scratch_operands = 5 : i64, tpu.core_type = #tpu.core_type<sc_vector_subcore>, window_params = [{transform_indices = #map}, {transform_indices = #map}, {transform_indices = #map}, {transform_indices = #map}, {transform_indices = #map}]} {
    %mul3A = arith.constant 16 : i32
    %mul3A_0 = arith.muli %arg0, %mul3A : i32
    %add3A = arith.addi %mul3A_0, %arg1 : i32
    %mul3A_1 = arith.constant 10000 : i32
    %mul3A_2 = arith.muli %add3A, %mul3A_1 : i32
    "tpu.region"() ({
      %run_scoped3A = tpu.sem_alloc : memref<!tpu.dma_semaphore, #tpu.memory_space<semaphore_mem>>
      tpu.enqueue_dma source(%arg2 : memref<40000xf32, #tpu.memory_space<hbm>>) target(%arg7 : memref<40000xf32, #tpu.memory_space<vmem>>) target_semaphore(%run_scoped3A : memref<!tpu.dma_semaphore, #tpu.memory_space<semaphore_mem>>)
      tpu.wait_dma2 semaphore(%run_scoped3A : memref<!tpu.dma_semaphore, #tpu.memory_space<semaphore_mem>>) src(%arg2 : memref<40000xf32, #tpu.memory_space<hbm>>) dst(%arg7 : memref<40000xf32, #tpu.memory_space<vmem>>)
      tpu.yield
    }) : () -> ()
    "tpu.region"() ({
      %run_scoped3A = tpu.sem_alloc : memref<!tpu.dma_semaphore, #tpu.memory_space<semaphore_mem>>
      %dma_start3A = tpu.memref_slice %arg3[%mul3A_2] : memref<320000xi32, #tpu.memory_space<hbm>> -> memref<10000xi32, #tpu.memory_space<hbm>>
      %dma_start3A_12 = tpu.memref_slice %arg3[%mul3A_2] : memref<320000xi32, #tpu.memory_space<hbm>> -> memref<10000xi32, #tpu.memory_space<hbm>>
      tpu.enqueue_dma source(%dma_start3A_12 : memref<10000xi32, #tpu.memory_space<hbm>>) target(%arg8 : memref<10000xi32, #tpu.memory_space<vmem>>) target_semaphore(%run_scoped3A : memref<!tpu.dma_semaphore, #tpu.memory_space<semaphore_mem>>)
      %dma_wait3A = tpu.memref_slice %arg3[%mul3A_2] : memref<320000xi32, #tpu.memory_space<hbm>> -> memref<10000xi32, #tpu.memory_space<hbm>>
      %dma_wait3A_13 = tpu.memref_slice %arg3[%mul3A_2] : memref<320000xi32, #tpu.memory_space<hbm>> -> memref<10000xi32, #tpu.memory_space<hbm>>
      tpu.wait_dma2 semaphore(%run_scoped3A : memref<!tpu.dma_semaphore, #tpu.memory_space<semaphore_mem>>) src(%dma_wait3A_13 : memref<10000xi32, #tpu.memory_space<hbm>>) dst(%arg8 : memref<10000xi32, #tpu.memory_space<vmem>>)
      tpu.yield
    }) : () -> ()
    "tpu.region"() ({
      %run_scoped3A = tpu.sem_alloc : memref<!tpu.dma_semaphore, #tpu.memory_space<semaphore_mem>>
      %dma_start3A = tpu.memref_slice %arg4[%mul3A_2] : memref<320000xi32, #tpu.memory_space<hbm>> -> memref<10000xi32, #tpu.memory_space<hbm>>
      %dma_start3A_12 = tpu.memref_slice %arg4[%mul3A_2] : memref<320000xi32, #tpu.memory_space<hbm>> -> memref<10000xi32, #tpu.memory_space<hbm>>
      tpu.enqueue_dma source(%dma_start3A_12 : memref<10000xi32, #tpu.memory_space<hbm>>) target(%arg9 : memref<10000xi32, #tpu.memory_space<vmem>>) target_semaphore(%run_scoped3A : memref<!tpu.dma_semaphore, #tpu.memory_space<semaphore_mem>>)
      %dma_wait3A = tpu.memref_slice %arg4[%mul3A_2] : memref<320000xi32, #tpu.memory_space<hbm>> -> memref<10000xi32, #tpu.memory_space<hbm>>
      %dma_wait3A_13 = tpu.memref_slice %arg4[%mul3A_2] : memref<320000xi32, #tpu.memory_space<hbm>> -> memref<10000xi32, #tpu.memory_space<hbm>>
      tpu.wait_dma2 semaphore(%run_scoped3A : memref<!tpu.dma_semaphore, #tpu.memory_space<semaphore_mem>>) src(%dma_wait3A_13 : memref<10000xi32, #tpu.memory_space<hbm>>) dst(%arg9 : memref<10000xi32, #tpu.memory_space<vmem>>)
      tpu.yield
    }) : () -> ()
    %mul3A_3 = arith.constant 2 : i32
    %mul3A_4 = arith.muli %mul3A_3, %mul3A_2 : i32
    "tpu.region"() ({
      %run_scoped3A = tpu.sem_alloc : memref<!tpu.dma_semaphore, #tpu.memory_space<semaphore_mem>>
      %dma_start3A = tpu.memref_slice %arg5[%mul3A_4] : memref<640000xf32, #tpu.memory_space<hbm>> -> memref<20000xf32, #tpu.memory_space<hbm>>
      %dma_start3A_12 = tpu.memref_slice %arg5[%mul3A_4] : memref<640000xf32, #tpu.memory_space<hbm>> -> memref<20000xf32, #tpu.memory_space<hbm>>
      tpu.enqueue_dma source(%dma_start3A_12 : memref<20000xf32, #tpu.memory_space<hbm>>) target(%arg10 : memref<20000xf32, #tpu.memory_space<vmem>>) target_semaphore(%run_scoped3A : memref<!tpu.dma_semaphore, #tpu.memory_space<semaphore_mem>>)
      %dma_wait3A = tpu.memref_slice %arg5[%mul3A_4] : memref<640000xf32, #tpu.memory_space<hbm>> -> memref<20000xf32, #tpu.memory_space<hbm>>
      %dma_wait3A_13 = tpu.memref_slice %arg5[%mul3A_4] : memref<640000xf32, #tpu.memory_space<hbm>> -> memref<20000xf32, #tpu.memory_space<hbm>>
      tpu.wait_dma2 semaphore(%run_scoped3A : memref<!tpu.dma_semaphore, #tpu.memory_space<semaphore_mem>>) src(%dma_wait3A_13 : memref<20000xf32, #tpu.memory_space<hbm>>) dst(%arg10 : memref<20000xf32, #tpu.memory_space<vmem>>)
      tpu.yield
    }) : () -> ()
    %iota3A = tpu.iota {dimensions = array<i32: 0>} : vector<16xi32>
    %scan3A = arith.constant 0 : i32
    %scan3A_5 = arith.constant 0 : i32
    %scan3A_6 = arith.constant 625 : i32
    %scan3A_7 = arith.addi %scan3A_5, %scan3A_6 : i32
    %scan3A_8 = arith.constant 1 : i32
    scf.for %scan3A_12 = %scan3A_5 to %scan3A_7 step %scan3A_8  : i32 {
      %mul3A_13 = arith.constant 16 : i32
      %mul3A_14 = arith.muli %scan3A_12, %mul3A_13 : i32
      %get3A = arith.index_cast %mul3A_14 : i32 to index
      %get3A_15 = tpu.vector_load %arg8[%get3A] {strides = array<i32>} : memref<10000xi32, #tpu.memory_space<vmem>>, vector<16xi32>,
      %mul3A_16 = arith.constant 16 : i32
      %mul3A_17 = arith.muli %scan3A_12, %mul3A_16 : i32
      %get3A_18 = arith.index_cast %mul3A_17 : i32 to index
      %get3A_19 = tpu.vector_load %arg9[%get3A_18] {strides = array<i32>} : memref<10000xi32, #tpu.memory_space<vmem>>, vector<16xi32>,
      %mul3A_20 = arith.constant 32 : i32
      %mul3A_21 = arith.muli %scan3A_12, %mul3A_20 : i32
      %mul3A_22 = arith.constant 2 : i32
      %mul3A_23 = vector.broadcast %mul3A_22 : i32 to vector<16xi32>
      %mul3A_24 = arith.muli %mul3A_23, %iota3A : vector<16xi32>
      %add3A_25 = vector.broadcast %mul3A_21 : i32 to vector<16xi32>
      %add3A_26 = arith.addi %add3A_25, %mul3A_24 : vector<16xi32>
      %mul3A_27 = arith.constant 4 : i32
      %mul3A_28 = vector.broadcast %mul3A_27 : i32 to vector<16xi32>
      %mul3A_29 = arith.muli %get3A_15, %mul3A_28 : vector<16xi32>
      %gather3A = tpu.vector_load_idx %arg7[%mul3A_29] : memref<40000xf32, #tpu.memory_space<vmem>>[vector<16xi32>], vector<16xf32>,
      %mul3A_30 = arith.constant 4 : i32
      %mul3A_31 = vector.broadcast %mul3A_30 : i32 to vector<16xi32>
      %mul3A_32 = arith.muli %get3A_15, %mul3A_31 : vector<16xi32>
      %add3A_33 = arith.constant 1 : i32
      %add3A_34 = vector.broadcast %add3A_33 : i32 to vector<16xi32>
      %add3A_35 = arith.addi %mul3A_32, %add3A_34 : vector<16xi32>
      %gather3A_36 = tpu.vector_load_idx %arg7[%add3A_35] : memref<40000xf32, #tpu.memory_space<vmem>>[vector<16xi32>], vector<16xf32>,
      %mul3A_37 = arith.constant 4 : i32
      %mul3A_38 = vector.broadcast %mul3A_37 : i32 to vector<16xi32>
      %mul3A_39 = arith.muli %get3A_19, %mul3A_38 : vector<16xi32>
      %add3A_40 = arith.constant 2 : i32
      %add3A_41 = vector.broadcast %add3A_40 : i32 to vector<16xi32>
      %add3A_42 = arith.addi %mul3A_39, %add3A_41 : vector<16xi32>
      %gather3A_43 = tpu.vector_load_idx %arg7[%add3A_42] : memref<40000xf32, #tpu.memory_space<vmem>>[vector<16xi32>], vector<16xf32>,
      %mul3A_44 = arith.constant 4 : i32
      %mul3A_45 = vector.broadcast %mul3A_44 : i32 to vector<16xi32>
      %mul3A_46 = arith.muli %get3A_19, %mul3A_45 : vector<16xi32>
      %add3A_47 = arith.constant 3 : i32
      %add3A_48 = vector.broadcast %add3A_47 : i32 to vector<16xi32>
      %add3A_49 = arith.addi %mul3A_46, %add3A_48 : vector<16xi32>
      %gather3A_50 = tpu.vector_load_idx %arg7[%add3A_49] : memref<40000xf32, #tpu.memory_space<vmem>>[vector<16xi32>], vector<16xf32>,
      %gather3A_51 = tpu.vector_load_idx %arg10[%add3A_26] : memref<20000xf32, #tpu.memory_space<vmem>>[vector<16xi32>], vector<16xf32>,
      %add3A_52 = arith.constant 1 : i32
      %add3A_53 = vector.broadcast %add3A_52 : i32 to vector<16xi32>
      %add3A_54 = arith.addi %add3A_26, %add3A_53 : vector<16xi32>
      %gather3A_55 = tpu.vector_load_idx %arg10[%add3A_54] : memref<20000xf32, #tpu.memory_space<vmem>>[vector<16xi32>], vector<16xf32>,
      %add3A_56 = arith.addf %gather3A, %gather3A_43 : vector<16xf32>
      %add3A_57 = arith.addf %add3A_56, %gather3A_51 : vector<16xf32>
      tpu.vector_store_idx %arg11[%add3A_26], %add3A_57 : memref<20000xf32, #tpu.memory_space<vmem>>[vector<16xi32>], vector<16xf32>,
      %add3A_58 = arith.constant 1 : i32
      %add3A_59 = vector.broadcast %add3A_58 : i32 to vector<16xi32>
      %add3A_60 = arith.addi %add3A_26, %add3A_59 : vector<16xi32>
      %add3A_61 = arith.addf %gather3A_36, %gather3A_50 : vector<16xf32>
      %add3A_62 = arith.addf %add3A_61, %gather3A_55 : vector<16xf32>
      tpu.vector_store_idx %arg11[%add3A_60], %add3A_62 : memref<20000xf32, #tpu.memory_space<vmem>>[vector<16xi32>], vector<16xf32>,
    }
    %scan3A_9 = arith.constant 625 : i32
    %mul3A_10 = arith.constant 2 : i32
    %mul3A_11 = arith.muli %mul3A_10, %mul3A_2 : i32
    "tpu.region"() ({
      %run_scoped3A = tpu.sem_alloc : memref<!tpu.dma_semaphore, #tpu.memory_space<semaphore_mem>>
      %dma_start3A = tpu.memref_slice %arg6[%mul3A_11] : memref<640000xf32, #tpu.memory_space<hbm>> -> memref<20000xf32, #tpu.memory_space<hbm>>
      %dma_start3A_12 = tpu.memref_slice %arg6[%mul3A_11] : memref<640000xf32, #tpu.memory_space<hbm>> -> memref<20000xf32, #tpu.memory_space<hbm>>
      tpu.enqueue_dma source(%arg11 : memref<20000xf32, #tpu.memory_space<vmem>>) target(%dma_start3A_12 : memref<20000xf32, #tpu.memory_space<hbm>>) target_semaphore(%run_scoped3A : memref<!tpu.dma_semaphore, #tpu.memory_space<semaphore_mem>>)
      %dma_wait3A = tpu.memref_slice %arg6[%mul3A_11] : memref<640000xf32, #tpu.memory_space<hbm>> -> memref<20000xf32, #tpu.memory_space<hbm>>
      %dma_wait3A_13 = tpu.memref_slice %arg6[%mul3A_11] : memref<640000xf32, #tpu.memory_space<hbm>> -> memref<20000xf32, #tpu.memory_space<hbm>>
      tpu.wait_dma2 semaphore(%run_scoped3A : memref<!tpu.dma_semaphore, #tpu.memory_space<semaphore_mem>>) src(%arg11 : memref<20000xf32, #tpu.memory_space<vmem>>) dst(%dma_wait3A_13 : memref<20000xf32, #tpu.memory_space<hbm>>)
      tpu.yield
    }) : () -> ()
    return
  }
}

#map = affine_map<(d0, d1) -> (0, 0)>
#map1 = affine_map<(d0, d1) -> (0)>
module attributes {stable_mosaic.version = 14 : i64} {
  func.func @deg(%arg0: i32, %arg1: i32, %arg2: memref<2560x125xi32, #tpu.memory_space<hbm>>, %arg3: memref<640xf32, #tpu.memory_space<hbm>>, %arg4: memref<125xf32, #tpu.memory_space<hbm>>, %arg5: memref<10240xf32, #tpu.memory_space<hbm>>, %arg6: memref<160x125xi32, #tpu.memory_space<vmem>>, %arg7: memref<125xf32, #tpu.memory_space<vmem>>, %arg8: memref<640xf32, #tpu.memory_space<vmem>>, %arg9: memref<10240xf32, #tpu.memory_space<vmem_shared>>) attributes {dimension_semantics = [#tpu.dimension_semantics<core_parallel>, #tpu.dimension_semantics<subcore_parallel>], iteration_bounds = array<i64: 1, 16>, scalar_prefetch = 0 : i64, scratch_operands = 4 : i64, tpu.core_type = #tpu.core_type<sc_vector_subcore>, window_params = [{transform_indices = #map}, {transform_indices = #map1}, {transform_indices = #map1}, {transform_indices = #map1}]} {
    %mul3A = arith.constant 160 : i32
    %mul3A_0 = arith.muli %arg1, %mul3A : i32
    "tpu.region"() ({
      %run_scoped3A = tpu.sem_alloc : memref<!tpu.dma_semaphore, #tpu.memory_space<semaphore_mem>>
      %dma_start3A = arith.constant 0 : i32
      %dma_start3A_13 = tpu.memref_slice %arg2[%mul3A_0, %dma_start3A] : memref<2560x125xi32, #tpu.memory_space<hbm>> -> memref<160x125xi32, #tpu.memory_space<hbm>>
      %dma_start3A_14 = arith.constant 0 : i32
      %dma_start3A_15 = tpu.memref_slice %arg2[%mul3A_0, %dma_start3A_14] : memref<2560x125xi32, #tpu.memory_space<hbm>> -> memref<160x125xi32, #tpu.memory_space<hbm>>
      tpu.enqueue_dma source(%dma_start3A_15 : memref<160x125xi32, #tpu.memory_space<hbm>>) target(%arg6 : memref<160x125xi32, #tpu.memory_space<vmem>>) target_semaphore(%run_scoped3A : memref<!tpu.dma_semaphore, #tpu.memory_space<semaphore_mem>>)
      %dma_wait3A = arith.constant 0 : i32
      %dma_wait3A_16 = tpu.memref_slice %arg2[%mul3A_0, %dma_wait3A] : memref<2560x125xi32, #tpu.memory_space<hbm>> -> memref<160x125xi32, #tpu.memory_space<hbm>>
      %dma_wait3A_17 = arith.constant 0 : i32
      %dma_wait3A_18 = tpu.memref_slice %arg2[%mul3A_0, %dma_wait3A_17] : memref<2560x125xi32, #tpu.memory_space<hbm>> -> memref<160x125xi32, #tpu.memory_space<hbm>>
      tpu.wait_dma2 semaphore(%run_scoped3A : memref<!tpu.dma_semaphore, #tpu.memory_space<semaphore_mem>>) src(%dma_wait3A_18 : memref<160x125xi32, #tpu.memory_space<hbm>>) dst(%arg6 : memref<160x125xi32, #tpu.memory_space<vmem>>)
      tpu.yield
    }) : () -> ()
    "tpu.region"() ({
      %run_scoped3A = tpu.sem_alloc : memref<!tpu.dma_semaphore, #tpu.memory_space<semaphore_mem>>
      tpu.enqueue_dma source(%arg4 : memref<125xf32, #tpu.memory_space<hbm>>) target(%arg7 : memref<125xf32, #tpu.memory_space<vmem>>) target_semaphore(%run_scoped3A : memref<!tpu.dma_semaphore, #tpu.memory_space<semaphore_mem>>)
      tpu.wait_dma2 semaphore(%run_scoped3A : memref<!tpu.dma_semaphore, #tpu.memory_space<semaphore_mem>>) src(%arg4 : memref<125xf32, #tpu.memory_space<hbm>>) dst(%arg7 : memref<125xf32, #tpu.memory_space<vmem>>)
      tpu.yield
    }) : () -> ()
    "tpu.region"() ({
      %run_scoped3A = tpu.sem_alloc : memref<!tpu.dma_semaphore, #tpu.memory_space<semaphore_mem>>
      tpu.enqueue_dma source(%arg3 : memref<640xf32, #tpu.memory_space<hbm>>) target(%arg8 : memref<640xf32, #tpu.memory_space<vmem>>) target_semaphore(%run_scoped3A : memref<!tpu.dma_semaphore, #tpu.memory_space<semaphore_mem>>)
      tpu.wait_dma2 semaphore(%run_scoped3A : memref<!tpu.dma_semaphore, #tpu.memory_space<semaphore_mem>>) src(%arg3 : memref<640xf32, #tpu.memory_space<hbm>>) dst(%arg8 : memref<640xf32, #tpu.memory_space<vmem>>)
      tpu.yield
    }) : () -> ()
    %mul3A_1 = arith.constant 640 : i32
    %mul3A_2 = arith.muli %arg1, %mul3A_1 : i32
    "tpu.region"() ({
      %run_scoped3A = tpu.sem_alloc : memref<!tpu.dma_semaphore, #tpu.memory_space<semaphore_mem>>
      %dma_start3A = tpu.memref_slice %arg9[%mul3A_2] : memref<10240xf32, #tpu.memory_space<vmem_shared>> -> memref<640xf32, #tpu.memory_space<vmem_shared>>
      %dma_start3A_13 = tpu.memref_slice %arg9[%mul3A_2] : memref<10240xf32, #tpu.memory_space<vmem_shared>> -> memref<640xf32, #tpu.memory_space<vmem_shared>>
      tpu.enqueue_dma source(%arg8 : memref<640xf32, #tpu.memory_space<vmem>>) target(%dma_start3A_13 : memref<640xf32, #tpu.memory_space<vmem_shared>>) target_semaphore(%run_scoped3A : memref<!tpu.dma_semaphore, #tpu.memory_space<semaphore_mem>>)
      %dma_wait3A = tpu.memref_slice %arg9[%mul3A_2] : memref<10240xf32, #tpu.memory_space<vmem_shared>> -> memref<640xf32, #tpu.memory_space<vmem_shared>>
      %dma_wait3A_14 = tpu.memref_slice %arg9[%mul3A_2] : memref<10240xf32, #tpu.memory_space<vmem_shared>> -> memref<640xf32, #tpu.memory_space<vmem_shared>>
      tpu.wait_dma2 semaphore(%run_scoped3A : memref<!tpu.dma_semaphore, #tpu.memory_space<semaphore_mem>>) src(%arg8 : memref<640xf32, #tpu.memory_space<vmem>>) dst(%dma_wait3A_14 : memref<640xf32, #tpu.memory_space<vmem_shared>>)
      tpu.yield
    }) : () -> ()
    %barrier3A = arith.constant 0 : index
    tpu.barrier barrier_id(%barrier3A)
    %scan3A = arith.constant 0 : i32
    %scan3A_3 = arith.constant 0 : i32
    %scan3A_4 = arith.constant 160 : i32
    %scan3A_5 = arith.addi %scan3A_3, %scan3A_4 : i32
    %scan3A_6 = arith.constant 1 : i32
    scf.for %scan3A_13 = %scan3A_3 to %scan3A_5 step %scan3A_6  : i32 {
      "tpu.region"() ({
        %run_scoped3A = tpu.sem_alloc : memref<!tpu.dma_semaphore, #tpu.memory_space<semaphore_mem>>
        %dma_start3A = arith.constant 0 : i32
        %dma_start3A_14 = tpu.memref_slice %arg6[%scan3A_13, %dma_start3A] : memref<160x125xi32, #tpu.memory_space<vmem>> -> memref<1x125xi32, #tpu.memory_space<vmem>>
        %dma_start3A_15 = tpu.memref_squeeze %dma_start3A_14 : memref<1x125xi32, #tpu.memory_space<vmem>> -> memref<125xi32, #tpu.memory_space<vmem>>
        %dma_start3A_16 = arith.constant 0 : i32
        %dma_start3A_17 = tpu.memref_slice %arg9[%dma_start3A_16] : memref<10240xf32, #tpu.memory_space<vmem_shared>> -> memref<10240xf32, #tpu.memory_space<vmem_shared>>
        tpu.enqueue_indirect_dma source(%arg7 : memref<125xf32, #tpu.memory_space<vmem>>) target(%dma_start3A_17 : memref<10240xf32, #tpu.memory_space<vmem_shared>>) offsets(%dma_start3A_15 : memref<125xi32, #tpu.memory_space<vmem>>) semaphore(%run_scoped3A : memref<!tpu.dma_semaphore, #tpu.memory_space<semaphore_mem>>) {add = true}
        %dma_wait3A = arith.constant 0 : i32
        %dma_wait3A_18 = tpu.memref_slice %arg6[%scan3A_13, %dma_wait3A] : memref<160x125xi32, #tpu.memory_space<vmem>> -> memref<1x125xi32, #tpu.memory_space<vmem>>
        %dma_wait3A_19 = tpu.memref_squeeze %dma_wait3A_18 : memref<1x125xi32, #tpu.memory_space<vmem>> -> memref<125xi32, #tpu.memory_space<vmem>>
        %dma_wait3A_20 = arith.constant 0 : i32
        %dma_wait3A_21 = tpu.memref_slice %arg9[%dma_wait3A_20] : memref<10240xf32, #tpu.memory_space<vmem_shared>> -> memref<10240xf32, #tpu.memory_space<vmem_shared>>
        tpu.wait_indirect_dma semaphore(%run_scoped3A : memref<!tpu.dma_semaphore, #tpu.memory_space<semaphore_mem>>) src(%arg7 : memref<125xf32, #tpu.memory_space<vmem>>) dst(%dma_wait3A_21 : memref<10240xf32, #tpu.memory_space<vmem_shared>>)
        tpu.yield
      }) : () -> ()
    }
    %scan3A_7 = arith.constant 160 : i32
    %barrier3A_8 = arith.constant 0 : index
    tpu.barrier barrier_id(%barrier3A_8)
    %mul3A_9 = arith.constant 640 : i32
    %mul3A_10 = arith.muli %arg1, %mul3A_9 : i32
    "tpu.region"() ({
      %run_scoped3A = tpu.sem_alloc : memref<!tpu.dma_semaphore, #tpu.memory_space<semaphore_mem>>
      %dma_start3A = tpu.memref_slice %arg9[%mul3A_10] : memref<10240xf32, #tpu.memory_space<vmem_shared>> -> memref<640xf32, #tpu.memory_space<vmem_shared>>
      %dma_start3A_13 = tpu.memref_slice %arg9[%mul3A_10] : memref<10240xf32, #tpu.memory_space<vmem_shared>> -> memref<640xf32, #tpu.memory_space<vmem_shared>>
      tpu.enqueue_dma source(%dma_start3A_13 : memref<640xf32, #tpu.memory_space<vmem_shared>>) target(%arg8 : memref<640xf32, #tpu.memory_space<vmem>>) target_semaphore(%run_scoped3A : memref<!tpu.dma_semaphore, #tpu.memory_space<semaphore_mem>>)
      %dma_wait3A = tpu.memref_slice %arg9[%mul3A_10] : memref<10240xf32, #tpu.memory_space<vmem_shared>> -> memref<640xf32, #tpu.memory_space<vmem_shared>>
      %dma_wait3A_14 = tpu.memref_slice %arg9[%mul3A_10] : memref<10240xf32, #tpu.memory_space<vmem_shared>> -> memref<640xf32, #tpu.memory_space<vmem_shared>>
      tpu.wait_dma2 semaphore(%run_scoped3A : memref<!tpu.dma_semaphore, #tpu.memory_space<semaphore_mem>>) src(%dma_wait3A_14 : memref<640xf32, #tpu.memory_space<vmem_shared>>) dst(%arg8 : memref<640xf32, #tpu.memory_space<vmem>>)
      tpu.yield
    }) : () -> ()
    %mul3A_11 = arith.constant 640 : i32
    %mul3A_12 = arith.muli %arg1, %mul3A_11 : i32
    "tpu.region"() ({
      %run_scoped3A = tpu.sem_alloc : memref<!tpu.dma_semaphore, #tpu.memory_space<semaphore_mem>>
      %dma_start3A = tpu.memref_slice %arg5[%mul3A_12] : memref<10240xf32, #tpu.memory_space<hbm>> -> memref<640xf32, #tpu.memory_space<hbm>>
      %dma_start3A_13 = tpu.memref_slice %arg5[%mul3A_12] : memref<10240xf32, #tpu.memory_space<hbm>> -> memref<640xf32, #tpu.memory_space<hbm>>
      tpu.enqueue_dma source(%arg8 : memref<640xf32, #tpu.memory_space<vmem>>) target(%dma_start3A_13 : memref<640xf32, #tpu.memory_space<hbm>>) target_semaphore(%run_scoped3A : memref<!tpu.dma_semaphore, #tpu.memory_space<semaphore_mem>>)
      %dma_wait3A = tpu.memref_slice %arg5[%mul3A_12] : memref<10240xf32, #tpu.memory_space<hbm>> -> memref<640xf32, #tpu.memory_space<hbm>>
      %dma_wait3A_14 = tpu.memref_slice %arg5[%mul3A_12] : memref<10240xf32, #tpu.memory_space<hbm>> -> memref<640xf32, #tpu.memory_space<hbm>>
      tpu.wait_dma2 semaphore(%run_scoped3A : memref<!tpu.dma_semaphore, #tpu.memory_space<semaphore_mem>>) src(%arg8 : memref<640xf32, #tpu.memory_space<vmem>>) dst(%dma_wait3A_14 : memref<640xf32, #tpu.memory_space<hbm>>)
      tpu.yield
    }) : () -> ()
    return
  }
}

#map = affine_map<(d0, d1) -> (0, 0)>
#map1 = affine_map<(d0, d1) -> (0, 0, 0)>
module attributes {stable_mosaic.version = 14 : i64} {
  func.func @agg(%arg0: i32, %arg1: i32, %arg2: memref<10128x128xf32, #tpu.memory_space<hbm>>, %arg3: memref<3x2560x125xi32, #tpu.memory_space<hbm>>, %arg4: memref<3x2560x125xi32, #tpu.memory_space<hbm>>, %arg5: memref<216x128xf32, #tpu.memory_space<hbm>>, %arg6: memref<10368x128xf32, #tpu.memory_space<hbm>>, %arg7: memref<160x125xi32, #tpu.memory_space<vmem>>, %arg8: memref<160x125xi32, #tpu.memory_space<vmem>>, %arg9: memref<125x128xf32, #tpu.memory_space<vmem>>, %arg10: memref<125x128xf32, #tpu.memory_space<vmem>>, %arg11: memref<216x128xf32, #tpu.memory_space<vmem>>, %arg12: memref<3456x128xf32, #tpu.memory_space<vmem_shared>>, %arg13: memref<!tpu.dma_semaphore, #tpu.memory_space<semaphore_mem>>, %arg14: memref<!tpu.dma_semaphore, #tpu.memory_space<semaphore_mem>>, %arg15: memref<!tpu.dma_semaphore, #tpu.memory_space<semaphore_mem>>, %arg16: memref<!tpu.dma_semaphore, #tpu.memory_space<semaphore_mem>>) attributes {dimension_semantics = [#tpu.dimension_semantics<core_parallel>, #tpu.dimension_semantics<subcore_parallel>], iteration_bounds = array<i64: 1, 16>, scalar_prefetch = 0 : i64, scratch_operands = 10 : i64, tpu.core_type = #tpu.core_type<sc_vector_subcore>, window_params = [{transform_indices = #map}, {transform_indices = #map1}, {transform_indices = #map1}, {transform_indices = #map}, {transform_indices = #map}]} {
    "tpu.region"() ({
      %run_scoped3A_104 = tpu.sem_alloc : memref<!tpu.dma_semaphore, #tpu.memory_space<semaphore_mem>>
      tpu.enqueue_dma source(%arg5 : memref<216x128xf32, #tpu.memory_space<hbm>>) target(%arg11 : memref<216x128xf32, #tpu.memory_space<vmem>>) target_semaphore(%run_scoped3A_104 : memref<!tpu.dma_semaphore, #tpu.memory_space<semaphore_mem>>)
      tpu.wait_dma2 semaphore(%run_scoped3A_104 : memref<!tpu.dma_semaphore, #tpu.memory_space<semaphore_mem>>) src(%arg5 : memref<216x128xf32, #tpu.memory_space<hbm>>) dst(%arg11 : memref<216x128xf32, #tpu.memory_space<vmem>>)
      tpu.yield
    }) : () -> ()
    %mul3A = arith.constant 160 : i32
    %mul3A_0 = arith.muli %arg1, %mul3A : i32
    %run_scoped3A = arith.constant 0 : i32
    "tpu.region"() ({
      %run_scoped3A_104 = tpu.sem_alloc : memref<!tpu.dma_semaphore, #tpu.memory_space<semaphore_mem>>
      %dma_start3A_105 = arith.constant 0 : i32
      %dma_start3A_106 = tpu.memref_slice %arg3[%run_scoped3A, %mul3A_0, %dma_start3A_105] : memref<3x2560x125xi32, #tpu.memory_space<hbm>> -> memref<1x160x125xi32, #tpu.memory_space<hbm>>
      %dma_start3A_107 = tpu.memref_squeeze %dma_start3A_106 : memref<1x160x125xi32, #tpu.memory_space<hbm>> -> memref<160x125xi32, #tpu.memory_space<hbm>>
      %dma_start3A_108 = arith.constant 0 : i32
      %dma_start3A_109 = tpu.memref_slice %arg3[%run_scoped3A, %mul3A_0, %dma_start3A_108] : memref<3x2560x125xi32, #tpu.memory_space<hbm>> -> memref<1x160x125xi32, #tpu.memory_space<hbm>>
      %dma_start3A_110 = tpu.memref_squeeze %dma_start3A_109 : memref<1x160x125xi32, #tpu.memory_space<hbm>> -> memref<160x125xi32, #tpu.memory_space<hbm>>
      tpu.enqueue_dma source(%dma_start3A_110 : memref<160x125xi32, #tpu.memory_space<hbm>>) target(%arg7 : memref<160x125xi32, #tpu.memory_space<vmem>>) target_semaphore(%run_scoped3A_104 : memref<!tpu.dma_semaphore, #tpu.memory_space<semaphore_mem>>)
      %dma_wait3A_111 = arith.constant 0 : i32
      %dma_wait3A_112 = tpu.memref_slice %arg3[%run_scoped3A, %mul3A_0, %dma_wait3A_111] : memref<3x2560x125xi32, #tpu.memory_space<hbm>> -> memref<1x160x125xi32, #tpu.memory_space<hbm>>
      %dma_wait3A_113 = tpu.memref_squeeze %dma_wait3A_112 : memref<1x160x125xi32, #tpu.memory_space<hbm>> -> memref<160x125xi32, #tpu.memory_space<hbm>>
      %dma_wait3A_114 = arith.constant 0 : i32
      %dma_wait3A_115 = tpu.memref_slice %arg3[%run_scoped3A, %mul3A_0, %dma_wait3A_114] : memref<3x2560x125xi32, #tpu.memory_space<hbm>> -> memref<1x160x125xi32, #tpu.memory_space<hbm>>
      %dma_wait3A_116 = tpu.memref_squeeze %dma_wait3A_115 : memref<1x160x125xi32, #tpu.memory_space<hbm>> -> memref<160x125xi32, #tpu.memory_space<hbm>>
      tpu.wait_dma2 semaphore(%run_scoped3A_104 : memref<!tpu.dma_semaphore, #tpu.memory_space<semaphore_mem>>) src(%dma_wait3A_116 : memref<160x125xi32, #tpu.memory_space<hbm>>) dst(%arg7 : memref<160x125xi32, #tpu.memory_space<vmem>>)
      tpu.yield
    }) : () -> ()
    %mul3A_1 = arith.constant 160 : i32
    %mul3A_2 = arith.muli %arg1, %mul3A_1 : i32
    %run_scoped3A_3 = arith.constant 0 : i32
    "tpu.region"() ({
      %run_scoped3A_104 = tpu.sem_alloc : memref<!tpu.dma_semaphore, #tpu.memory_space<semaphore_mem>>
      %dma_start3A_105 = arith.constant 0 : i32
      %dma_start3A_106 = tpu.memref_slice %arg4[%run_scoped3A_3, %mul3A_2, %dma_start3A_105] : memref<3x2560x125xi32, #tpu.memory_space<hbm>> -> memref<1x160x125xi32, #tpu.memory_space<hbm>>
      %dma_start3A_107 = tpu.memref_squeeze %dma_start3A_106 : memref<1x160x125xi32, #tpu.memory_space<hbm>> -> memref<160x125xi32, #tpu.memory_space<hbm>>
      %dma_start3A_108 = arith.constant 0 : i32
      %dma_start3A_109 = tpu.memref_slice %arg4[%run_scoped3A_3, %mul3A_2, %dma_start3A_108] : memref<3x2560x125xi32, #tpu.memory_space<hbm>> -> memref<1x160x125xi32, #tpu.memory_space<hbm>>
      %dma_start3A_110 = tpu.memref_squeeze %dma_start3A_109 : memref<1x160x125xi32, #tpu.memory_space<hbm>> -> memref<160x125xi32, #tpu.memory_space<hbm>>
      tpu.enqueue_dma source(%dma_start3A_110 : memref<160x125xi32, #tpu.memory_space<hbm>>) target(%arg8 : memref<160x125xi32, #tpu.memory_space<vmem>>) target_semaphore(%run_scoped3A_104 : memref<!tpu.dma_semaphore, #tpu.memory_space<semaphore_mem>>)
      %dma_wait3A_111 = arith.constant 0 : i32
      %dma_wait3A_112 = tpu.memref_slice %arg4[%run_scoped3A_3, %mul3A_2, %dma_wait3A_111] : memref<3x2560x125xi32, #tpu.memory_space<hbm>> -> memref<1x160x125xi32, #tpu.memory_space<hbm>>
      %dma_wait3A_113 = tpu.memref_squeeze %dma_wait3A_112 : memref<1x160x125xi32, #tpu.memory_space<hbm>> -> memref<160x125xi32, #tpu.memory_space<hbm>>
      %dma_wait3A_114 = arith.constant 0 : i32
      %dma_wait3A_115 = tpu.memref_slice %arg4[%run_scoped3A_3, %mul3A_2, %dma_wait3A_114] : memref<3x2560x125xi32, #tpu.memory_space<hbm>> -> memref<1x160x125xi32, #tpu.memory_space<hbm>>
      %dma_wait3A_116 = tpu.memref_squeeze %dma_wait3A_115 : memref<1x160x125xi32, #tpu.memory_space<hbm>> -> memref<160x125xi32, #tpu.memory_space<hbm>>
      tpu.wait_dma2 semaphore(%run_scoped3A_104 : memref<!tpu.dma_semaphore, #tpu.memory_space<semaphore_mem>>) src(%dma_wait3A_116 : memref<160x125xi32, #tpu.memory_space<hbm>>) dst(%arg8 : memref<160x125xi32, #tpu.memory_space<vmem>>)
      tpu.yield
    }) : () -> ()
    %mul3A_4 = arith.constant 216 : i32
    %mul3A_5 = arith.muli %arg1, %mul3A_4 : i32
    "tpu.region"() ({
      %run_scoped3A_104 = tpu.sem_alloc : memref<!tpu.dma_semaphore, #tpu.memory_space<semaphore_mem>>
      %dma_start3A_105 = arith.constant 0 : i32
      %dma_start3A_106 = tpu.memref_slice %arg12[%mul3A_5, %dma_start3A_105] : memref<3456x128xf32, #tpu.memory_space<vmem_shared>> -> memref<216x128xf32, #tpu.memory_space<vmem_shared>>
      %dma_start3A_107 = arith.constant 0 : i32
      %dma_start3A_108 = tpu.memref_slice %arg12[%mul3A_5, %dma_start3A_107] : memref<3456x128xf32, #tpu.memory_space<vmem_shared>> -> memref<216x128xf32, #tpu.memory_space<vmem_shared>>
      tpu.enqueue_dma source(%arg11 : memref<216x128xf32, #tpu.memory_space<vmem>>) target(%dma_start3A_108 : memref<216x128xf32, #tpu.memory_space<vmem_shared>>) target_semaphore(%run_scoped3A_104 : memref<!tpu.dma_semaphore, #tpu.memory_space<semaphore_mem>>)
      %dma_wait3A_109 = arith.constant 0 : i32
      %dma_wait3A_110 = tpu.memref_slice %arg12[%mul3A_5, %dma_wait3A_109] : memref<3456x128xf32, #tpu.memory_space<vmem_shared>> -> memref<216x128xf32, #tpu.memory_space<vmem_shared>>
      %dma_wait3A_111 = arith.constant 0 : i32
      %dma_wait3A_112 = tpu.memref_slice %arg12[%mul3A_5, %dma_wait3A_111] : memref<3456x128xf32, #tpu.memory_space<vmem_shared>> -> memref<216x128xf32, #tpu.memory_space<vmem_shared>>
      tpu.wait_dma2 semaphore(%run_scoped3A_104 : memref<!tpu.dma_semaphore, #tpu.memory_space<semaphore_mem>>) src(%arg11 : memref<216x128xf32, #tpu.memory_space<vmem>>) dst(%dma_wait3A_112 : memref<216x128xf32, #tpu.memory_space<vmem_shared>>)
      tpu.yield
    }) : () -> ()
    %barrier3A = arith.constant 0 : index
    tpu.barrier barrier_id(%barrier3A)
    %dma_start3A = arith.constant 0 : i32
    %dma_start3A_6 = arith.constant 0 : i32
    %dma_start3A_7 = tpu.memref_slice %arg7[%dma_start3A, %dma_start3A_6] : memref<160x125xi32, #tpu.memory_space<vmem>> -> memref<1x125xi32, #tpu.memory_space<vmem>>
    %dma_start3A_8 = tpu.memref_squeeze %dma_start3A_7 : memref<1x125xi32, #tpu.memory_space<vmem>> -> memref<125xi32, #tpu.memory_space<vmem>>
    %dma_start3A_9 = arith.constant 0 : i32
    %dma_start3A_10 = arith.constant 0 : i32
    %dma_start3A_11 = tpu.memref_slice %arg2[%dma_start3A_9, %dma_start3A_10] : memref<10128x128xf32, #tpu.memory_space<hbm>> -> memref<10128x128xf32, #tpu.memory_space<hbm>>
    tpu.enqueue_indirect_dma source(%dma_start3A_11 : memref<10128x128xf32, #tpu.memory_space<hbm>>) target(%arg9 : memref<125x128xf32, #tpu.memory_space<vmem>>) offsets(%dma_start3A_8 : memref<125xi32, #tpu.memory_space<vmem>>) semaphore(%arg13 : memref<!tpu.dma_semaphore, #tpu.memory_space<semaphore_mem>>)
    %scan3A = arith.constant 0 : i32
    %scan3A_12 = arith.constant 0 : i32
    %scan3A_13 = arith.constant 80 : i32
    %scan3A_14 = arith.addi %scan3A_12, %scan3A_13 : i32
    %scan3A_15 = arith.constant 1 : i32
    scf.for %scan3A_104 = %scan3A_12 to %scan3A_14 step %scan3A_15  : i32 {
      %mul3A_105 = arith.constant 2 : i32
      %mul3A_106 = arith.muli %mul3A_105, %scan3A_104 : i32
      %mul3A_107 = arith.constant 2 : i32
      %mul3A_108 = arith.muli %mul3A_107, %scan3A_104 : i32
      %add3A_109 = arith.constant 1 : i32
      %add3A_110 = arith.addi %mul3A_108, %add3A_109 : i32
      %gt3A = arith.constant 0 : i32
      %gt3A_111 = arith.cmpi sgt, %scan3A_104, %gt3A : i32
      %convert_element_type3A = arith.extui %gt3A_111 : i1 to i32
      %cond3A = arith.constant 0 : i32
      %cond3A_112 = arith.cmpi ne, %convert_element_type3A, %cond3A : i32
      scf.if %cond3A_112 {
        %sub3A = arith.constant 2 : i32
        %sub3A_153 = arith.subi %add3A_110, %sub3A : i32
        %dma_wait3A_154 = arith.constant 0 : i32
        %dma_wait3A_155 = tpu.memref_slice %arg8[%sub3A_153, %dma_wait3A_154] : memref<160x125xi32, #tpu.memory_space<vmem>> -> memref<1x125xi32, #tpu.memory_space<vmem>>
        %dma_wait3A_156 = tpu.memref_squeeze %dma_wait3A_155 : memref<1x125xi32, #tpu.memory_space<vmem>> -> memref<125xi32, #tpu.memory_space<vmem>>
        %dma_wait3A_157 = arith.constant 0 : i32
        %dma_wait3A_158 = arith.constant 0 : i32
        %dma_wait3A_159 = tpu.memref_slice %arg12[%dma_wait3A_157, %dma_wait3A_158] : memref<3456x128xf32, #tpu.memory_space<vmem_shared>> -> memref<3456x128xf32, #tpu.memory_space<vmem_shared>>
        tpu.wait_indirect_dma semaphore(%arg16 : memref<!tpu.dma_semaphore, #tpu.memory_space<semaphore_mem>>) src(%arg10 : memref<125x128xf32, #tpu.memory_space<vmem>>) dst(%dma_wait3A_159 : memref<3456x128xf32, #tpu.memory_space<vmem_shared>>)
      } else {
      }
      %dma_start3A_113 = arith.constant 0 : i32
      %dma_start3A_114 = tpu.memref_slice %arg7[%add3A_110, %dma_start3A_113] : memref<160x125xi32, #tpu.memory_space<vmem>> -> memref<1x125xi32, #tpu.memory_space<vmem>>
      %dma_start3A_115 = tpu.memref_squeeze %dma_start3A_114 : memref<1x125xi32, #tpu.memory_space<vmem>> -> memref<125xi32, #tpu.memory_space<vmem>>
      %dma_start3A_116 = arith.constant 0 : i32
      %dma_start3A_117 = arith.constant 0 : i32
      %dma_start3A_118 = tpu.memref_slice %arg2[%dma_start3A_116, %dma_start3A_117] : memref<10128x128xf32, #tpu.memory_space<hbm>> -> memref<10128x128xf32, #tpu.memory_space<hbm>>
      tpu.enqueue_indirect_dma source(%dma_start3A_118 : memref<10128x128xf32, #tpu.memory_space<hbm>>) target(%arg10 : memref<125x128xf32, #tpu.memory_space<vmem>>) offsets(%dma_start3A_115 : memref<125xi32, #tpu.memory_space<vmem>>) semaphore(%arg14 : memref<!tpu.dma_semaphore, #tpu.memory_space<semaphore_mem>>)
      %dma_wait3A_119 = arith.constant 0 : i32
      %dma_wait3A_120 = tpu.memref_slice %arg7[%mul3A_106, %dma_wait3A_119] : memref<160x125xi32, #tpu.memory_space<vmem>> -> memref<1x125xi32, #tpu.memory_space<vmem>>
      %dma_wait3A_121 = tpu.memref_squeeze %dma_wait3A_120 : memref<1x125xi32, #tpu.memory_space<vmem>> -> memref<125xi32, #tpu.memory_space<vmem>>
      %dma_wait3A_122 = arith.constant 0 : i32
      %dma_wait3A_123 = arith.constant 0 : i32
      %dma_wait3A_124 = tpu.memref_slice %arg2[%dma_wait3A_122, %dma_wait3A_123] : memref<10128x128xf32, #tpu.memory_space<hbm>> -> memref<10128x128xf32, #tpu.memory_space<hbm>>
      tpu.wait_indirect_dma semaphore(%arg13 : memref<!tpu.dma_semaphore, #tpu.memory_space<semaphore_mem>>) src(%dma_wait3A_124 : memref<10128x128xf32, #tpu.memory_space<hbm>>) dst(%arg9 : memref<125x128xf32, #tpu.memory_space<vmem>>)
      %dma_start3A_125 = arith.constant 0 : i32
      %dma_start3A_126 = tpu.memref_slice %arg8[%mul3A_106, %dma_start3A_125] : memref<160x125xi32, #tpu.memory_space<vmem>> -> memref<1x125xi32, #tpu.memory_space<vmem>>
      %dma_start3A_127 = tpu.memref_squeeze %dma_start3A_126 : memref<1x125xi32, #tpu.memory_space<vmem>> -> memref<125xi32, #tpu.memory_space<vmem>>
      %dma_start3A_128 = arith.constant 0 : i32
      %dma_start3A_129 = arith.constant 0 : i32
      %dma_start3A_130 = tpu.memref_slice %arg12[%dma_start3A_128, %dma_start3A_129] : memref<3456x128xf32, #tpu.memory_space<vmem_shared>> -> memref<3456x128xf32, #tpu.memory_space<vmem_shared>>
      tpu.enqueue_indirect_dma source(%arg9 : memref<125x128xf32, #tpu.memory_space<vmem>>) target(%dma_start3A_130 : memref<3456x128xf32, #tpu.memory_space<vmem_shared>>) offsets(%dma_start3A_127 : memref<125xi32, #tpu.memory_space<vmem>>) semaphore(%arg15 : memref<!tpu.dma_semaphore, #tpu.memory_space<semaphore_mem>>) {add = true}
      %dma_wait3A_131 = arith.constant 0 : i32
      %dma_wait3A_132 = tpu.memref_slice %arg8[%mul3A_106, %dma_wait3A_131] : memref<160x125xi32, #tpu.memory_space<vmem>> -> memref<1x125xi32, #tpu.memory_space<vmem>>
      %dma_wait3A_133 = tpu.memref_squeeze %dma_wait3A_132 : memref<1x125xi32, #tpu.memory_space<vmem>> -> memref<125xi32, #tpu.memory_space<vmem>>
      %dma_wait3A_134 = arith.constant 0 : i32
      %dma_wait3A_135 = arith.constant 0 : i32
      %dma_wait3A_136 = tpu.memref_slice %arg12[%dma_wait3A_134, %dma_wait3A_135] : memref<3456x128xf32, #tpu.memory_space<vmem_shared>> -> memref<3456x128xf32, #tpu.memory_space<vmem_shared>>
      tpu.wait_indirect_dma semaphore(%arg15 : memref<!tpu.dma_semaphore, #tpu.memory_space<semaphore_mem>>) src(%arg9 : memref<125x128xf32, #tpu.memory_space<vmem>>) dst(%dma_wait3A_136 : memref<3456x128xf32, #tpu.memory_space<vmem_shared>>)
      %lt3A = arith.constant 79 : i32
      %lt3A_137 = arith.cmpi slt, %scan3A_104, %lt3A : i32
      %convert_element_type3A_138 = arith.extui %lt3A_137 : i1 to i32
      %cond3A_139 = arith.constant 0 : i32
      %cond3A_140 = arith.cmpi ne, %convert_element_type3A_138, %cond3A_139 : i32
      scf.if %cond3A_140 {
        %add3A_153 = arith.constant 2 : i32
        %add3A_154 = arith.addi %mul3A_106, %add3A_153 : i32
        %dma_start3A_155 = arith.constant 0 : i32
        %dma_start3A_156 = tpu.memref_slice %arg7[%add3A_154, %dma_start3A_155] : memref<160x125xi32, #tpu.memory_space<vmem>> -> memref<1x125xi32, #tpu.memory_space<vmem>>
        %dma_start3A_157 = tpu.memref_squeeze %dma_start3A_156 : memref<1x125xi32, #tpu.memory_space<vmem>> -> memref<125xi32, #tpu.memory_space<vmem>>
        %dma_start3A_158 = arith.constant 0 : i32
        %dma_start3A_159 = arith.constant 0 : i32
        %dma_start3A_160 = tpu.memref_slice %arg2[%dma_start3A_158, %dma_start3A_159] : memref<10128x128xf32, #tpu.memory_space<hbm>> -> memref<10128x128xf32, #tpu.memory_space<hbm>>
        tpu.enqueue_indirect_dma source(%dma_start3A_160 : memref<10128x128xf32, #tpu.memory_space<hbm>>) target(%arg9 : memref<125x128xf32, #tpu.memory_space<vmem>>) offsets(%dma_start3A_157 : memref<125xi32, #tpu.memory_space<vmem>>) semaphore(%arg13 : memref<!tpu.dma_semaphore, #tpu.memory_space<semaphore_mem>>)
      } else {
      }
      %dma_wait3A_141 = arith.constant 0 : i32
      %dma_wait3A_142 = tpu.memref_slice %arg7[%add3A_110, %dma_wait3A_141] : memref<160x125xi32, #tpu.memory_space<vmem>> -> memref<1x125xi32, #tpu.memory_space<vmem>>
      %dma_wait3A_143 = tpu.memref_squeeze %dma_wait3A_142 : memref<1x125xi32, #tpu.memory_space<vmem>> -> memref<125xi32, #tpu.memory_space<vmem>>
      %dma_wait3A_144 = arith.constant 0 : i32
      %dma_wait3A_145 = arith.constant 0 : i32
      %dma_wait3A_146 = tpu.memref_slice %arg2[%dma_wait3A_144, %dma_wait3A_145] : memref<10128x128xf32, #tpu.memory_space<hbm>> -> memref<10128x128xf32, #tpu.memory_space<hbm>>
      tpu.wait_indirect_dma semaphore(%arg14 : memref<!tpu.dma_semaphore, #tpu.memory_space<semaphore_mem>>) src(%dma_wait3A_146 : memref<10128x128xf32, #tpu.memory_space<hbm>>) dst(%arg10 : memref<125x128xf32, #tpu.memory_space<vmem>>)
      %dma_start3A_147 = arith.constant 0 : i32
      %dma_start3A_148 = tpu.memref_slice %arg8[%add3A_110, %dma_start3A_147] : memref<160x125xi32, #tpu.memory_space<vmem>> -> memref<1x125xi32, #tpu.memory_space<vmem>>
      %dma_start3A_149 = tpu.memref_squeeze %dma_start3A_148 : memref<1x125xi32, #tpu.memory_space<vmem>> -> memref<125xi32, #tpu.memory_space<vmem>>
      %dma_start3A_150 = arith.constant 0 : i32
      %dma_start3A_151 = arith.constant 0 : i32
      %dma_start3A_152 = tpu.memref_slice %arg12[%dma_start3A_150, %dma_start3A_151] : memref<3456x128xf32, #tpu.memory_space<vmem_shared>> -> memref<3456x128xf32, #tpu.memory_space<vmem_shared>>
      tpu.enqueue_indirect_dma source(%arg10 : memref<125x128xf32, #tpu.memory_space<vmem>>) target(%dma_start3A_152 : memref<3456x128xf32, #tpu.memory_space<vmem_shared>>) offsets(%dma_start3A_149 : memref<125xi32, #tpu.memory_space<vmem>>) semaphore(%arg16 : memref<!tpu.dma_semaphore, #tpu.memory_space<semaphore_mem>>) {add = true}
    }
    %scan3A_16 = arith.constant 80 : i32
    %dma_wait3A = arith.constant 159 : i32
    %dma_wait3A_17 = arith.constant 0 : i32
    %dma_wait3A_18 = tpu.memref_slice %arg8[%dma_wait3A, %dma_wait3A_17] : memref<160x125xi32, #tpu.memory_space<vmem>> -> memref<1x125xi32, #tpu.memory_space<vmem>>
    %dma_wait3A_19 = tpu.memref_squeeze %dma_wait3A_18 : memref<1x125xi32, #tpu.memory_space<vmem>> -> memref<125xi32, #tpu.memory_space<vmem>>
    %dma_wait3A_20 = arith.constant 0 : i32
    %dma_wait3A_21 = arith.constant 0 : i32
    %dma_wait3A_22 = tpu.memref_slice %arg12[%dma_wait3A_20, %dma_wait3A_21] : memref<3456x128xf32, #tpu.memory_space<vmem_shared>> -> memref<3456x128xf32, #tpu.memory_space<vmem_shared>>
    tpu.wait_indirect_dma semaphore(%arg16 : memref<!tpu.dma_semaphore, #tpu.memory_space<semaphore_mem>>) src(%arg10 : memref<125x128xf32, #tpu.memory_space<vmem>>) dst(%dma_wait3A_22 : memref<3456x128xf32, #tpu.memory_space<vmem_shared>>)
    %barrier3A_23 = arith.constant 0 : index
    tpu.barrier barrier_id(%barrier3A_23)
    %mul3A_24 = arith.constant 216 : i32
    %mul3A_25 = arith.muli %arg1, %mul3A_24 : i32
    "tpu.region"() ({
      %run_scoped3A_104 = tpu.sem_alloc : memref<!tpu.dma_semaphore, #tpu.memory_space<semaphore_mem>>
      %dma_start3A_105 = arith.constant 0 : i32
      %dma_start3A_106 = tpu.memref_slice %arg12[%mul3A_25, %dma_start3A_105] : memref<3456x128xf32, #tpu.memory_space<vmem_shared>> -> memref<216x128xf32, #tpu.memory_space<vmem_shared>>
      %dma_start3A_107 = arith.constant 0 : i32
      %dma_start3A_108 = tpu.memref_slice %arg12[%mul3A_25, %dma_start3A_107] : memref<3456x128xf32, #tpu.memory_space<vmem_shared>> -> memref<216x128xf32, #tpu.memory_space<vmem_shared>>
      tpu.enqueue_dma source(%dma_start3A_108 : memref<216x128xf32, #tpu.memory_space<vmem_shared>>) target(%arg11 : memref<216x128xf32, #tpu.memory_space<vmem>>) target_semaphore(%run_scoped3A_104 : memref<!tpu.dma_semaphore, #tpu.memory_space<semaphore_mem>>)
      %dma_wait3A_109 = arith.constant 0 : i32
      %dma_wait3A_110 = tpu.memref_slice %arg12[%mul3A_25, %dma_wait3A_109] : memref<3456x128xf32, #tpu.memory_space<vmem_shared>> -> memref<216x128xf32, #tpu.memory_space<vmem_shared>>
      %dma_wait3A_111 = arith.constant 0 : i32
      %dma_wait3A_112 = tpu.memref_slice %arg12[%mul3A_25, %dma_wait3A_111] : memref<3456x128xf32, #tpu.memory_space<vmem_shared>> -> memref<216x128xf32, #tpu.memory_space<vmem_shared>>
      tpu.wait_dma2 semaphore(%run_scoped3A_104 : memref<!tpu.dma_semaphore, #tpu.memory_space<semaphore_mem>>) src(%dma_wait3A_112 : memref<216x128xf32, #tpu.memory_space<vmem_shared>>) dst(%arg11 : memref<216x128xf32, #tpu.memory_space<vmem>>)
      tpu.yield
    }) : () -> ()
    %mul3A_26 = arith.constant 216 : i32
    %mul3A_27 = arith.muli %arg1, %mul3A_26 : i32
    %add3A = arith.constant 0 : i32
    %add3A_28 = arith.addi %add3A, %mul3A_27 : i32
    "tpu.region"() ({
      %run_scoped3A_104 = tpu.sem_alloc : memref<!tpu.dma_semaphore, #tpu.memory_space<semaphore_mem>>
      %dma_start3A_105 = arith.constant 0 : i32
      %dma_start3A_106 = tpu.memref_slice %arg6[%add3A_28, %dma_start3A_105] : memref<10368x128xf32, #tpu.memory_space<hbm>> -> memref<216x128xf32, #tpu.memory_space<hbm>>
      %dma_start3A_107 = arith.constant 0 : i32
      %dma_start3A_108 = tpu.memref_slice %arg6[%add3A_28, %dma_start3A_107] : memref<10368x128xf32, #tpu.memory_space<hbm>> -> memref<216x128xf32, #tpu.memory_space<hbm>>
      tpu.enqueue_dma source(%arg11 : memref<216x128xf32, #tpu.memory_space<vmem>>) target(%dma_start3A_108 : memref<216x128xf32, #tpu.memory_space<hbm>>) target_semaphore(%run_scoped3A_104 : memref<!tpu.dma_semaphore, #tpu.memory_space<semaphore_mem>>)
      %dma_wait3A_109 = arith.constant 0 : i32
      %dma_wait3A_110 = tpu.memref_slice %arg6[%add3A_28, %dma_wait3A_109] : memref<10368x128xf32, #tpu.memory_space<hbm>> -> memref<216x128xf32, #tpu.memory_space<hbm>>
      %dma_wait3A_111 = arith.constant 0 : i32
      %dma_wait3A_112 = tpu.memref_slice %arg6[%add3A_28, %dma_wait3A_111] : memref<10368x128xf32, #tpu.memory_space<hbm>> -> memref<216x128xf32, #tpu.memory_space<hbm>>
      tpu.wait_dma2 semaphore(%run_scoped3A_104 : memref<!tpu.dma_semaphore, #tpu.memory_space<semaphore_mem>>) src(%arg11 : memref<216x128xf32, #tpu.memory_space<vmem>>) dst(%dma_wait3A_112 : memref<216x128xf32, #tpu.memory_space<hbm>>)
      tpu.yield
    }) : () -> ()
    %barrier3A_29 = arith.constant 0 : index
    tpu.barrier barrier_id(%barrier3A_29)
    "tpu.region"() ({
      %run_scoped3A_104 = tpu.sem_alloc : memref<!tpu.dma_semaphore, #tpu.memory_space<semaphore_mem>>
      tpu.enqueue_dma source(%arg5 : memref<216x128xf32, #tpu.memory_space<hbm>>) target(%arg11 : memref<216x128xf32, #tpu.memory_space<vmem>>) target_semaphore(%run_scoped3A_104 : memref<!tpu.dma_semaphore, #tpu.memory_space<semaphore_mem>>)
      tpu.wait_dma2 semaphore(%run_scoped3A_104 : memref<!tpu.dma_semaphore, #tpu.memory_space<semaphore_mem>>) src(%arg5 : memref<216x128xf32, #tpu.memory_space<hbm>>) dst(%arg11 : memref<216x128xf32, #tpu.memory_space<vmem>>)
      tpu.yield
    }) : () -> ()
    %mul3A_30 = arith.constant 160 : i32
    %mul3A_31 = arith.muli %arg1, %mul3A_30 : i32
    %run_scoped3A_32 = arith.constant 1 : i32
    "tpu.region"() ({
      %run_scoped3A_104 = tpu.sem_alloc : memref<!tpu.dma_semaphore, #tpu.memory_space<semaphore_mem>>
      %dma_start3A_105 = arith.constant 0 : i32
      %dma_start3A_106 = tpu.memref_slice %arg3[%run_scoped3A_32, %mul3A_31, %dma_start3A_105] : memref<3x2560x125xi32, #tpu.memory_space<hbm>> -> memref<1x160x125xi32, #tpu.memory_space<hbm>>
      %dma_start3A_107 = tpu.memref_squeeze %dma_start3A_106 : memref<1x160x125xi32, #tpu.memory_space<hbm>> -> memref<160x125xi32, #tpu.memory_space<hbm>>
      %dma_start3A_108 = arith.constant 0 : i32
      %dma_start3A_109 = tpu.memref_slice %arg3[%run_scoped3A_32, %mul3A_31, %dma_start3A_108] : memref<3x2560x125xi32, #tpu.memory_space<hbm>> -> memref<1x160x125xi32, #tpu.memory_space<hbm>>
      %dma_start3A_110 = tpu.memref_squeeze %dma_start3A_109 : memref<1x160x125xi32, #tpu.memory_space<hbm>> -> memref<160x125xi32, #tpu.memory_space<hbm>>
      tpu.enqueue_dma source(%dma_start3A_110 : memref<160x125xi32, #tpu.memory_space<hbm>>) target(%arg7 : memref<160x125xi32, #tpu.memory_space<vmem>>) target_semaphore(%run_scoped3A_104 : memref<!tpu.dma_semaphore, #tpu.memory_space<semaphore_mem>>)
      %dma_wait3A_111 = arith.constant 0 : i32
      %dma_wait3A_112 = tpu.memref_slice %arg3[%run_scoped3A_32, %mul3A_31, %dma_wait3A_111] : memref<3x2560x125xi32, #tpu.memory_space<hbm>> -> memref<1x160x125xi32, #tpu.memory_space<hbm>>
      %dma_wait3A_113 = tpu.memref_squeeze %dma_wait3A_112 : memref<1x160x125xi32, #tpu.memory_space<hbm>> -> memref<160x125xi32, #tpu.memory_space<hbm>>
      %dma_wait3A_114 = arith.constant 0 : i32
      %dma_wait3A_115 = tpu.memref_slice %arg3[%run_scoped3A_32, %mul3A_31, %dma_wait3A_114] : memref<3x2560x125xi32, #tpu.memory_space<hbm>> -> memref<1x160x125xi32, #tpu.memory_space<hbm>>
      %dma_wait3A_116 = tpu.memref_squeeze %dma_wait3A_115 : memref<1x160x125xi32, #tpu.memory_space<hbm>> -> memref<160x125xi32, #tpu.memory_space<hbm>>
      tpu.wait_dma2 semaphore(%run_scoped3A_104 : memref<!tpu.dma_semaphore, #tpu.memory_space<semaphore_mem>>) src(%dma_wait3A_116 : memref<160x125xi32, #tpu.memory_space<hbm>>) dst(%arg7 : memref<160x125xi32, #tpu.memory_space<vmem>>)
      tpu.yield
    }) : () -> ()
    %mul3A_33 = arith.constant 160 : i32
    %mul3A_34 = arith.muli %arg1, %mul3A_33 : i32
    %run_scoped3A_35 = arith.constant 1 : i32
    "tpu.region"() ({
      %run_scoped3A_104 = tpu.sem_alloc : memref<!tpu.dma_semaphore, #tpu.memory_space<semaphore_mem>>
      %dma_start3A_105 = arith.constant 0 : i32
      %dma_start3A_106 = tpu.memref_slice %arg4[%run_scoped3A_35, %mul3A_34, %dma_start3A_105] : memref<3x2560x125xi32, #tpu.memory_space<hbm>> -> memref<1x160x125xi32, #tpu.memory_space<hbm>>
      %dma_start3A_107 = tpu.memref_squeeze %dma_start3A_106 : memref<1x160x125xi32, #tpu.memory_space<hbm>> -> memref<160x125xi32, #tpu.memory_space<hbm>>
      %dma_start3A_108 = arith.constant 0 : i32
      %dma_start3A_109 = tpu.memref_slice %arg4[%run_scoped3A_35, %mul3A_34, %dma_start3A_108] : memref<3x2560x125xi32, #tpu.memory_space<hbm>> -> memref<1x160x125xi32, #tpu.memory_space<hbm>>
      %dma_start3A_110 = tpu.memref_squeeze %dma_start3A_109 : memref<1x160x125xi32, #tpu.memory_space<hbm>> -> memref<160x125xi32, #tpu.memory_space<hbm>>
      tpu.enqueue_dma source(%dma_start3A_110 : memref<160x125xi32, #tpu.memory_space<hbm>>) target(%arg8 : memref<160x125xi32, #tpu.memory_space<vmem>>) target_semaphore(%run_scoped3A_104 : memref<!tpu.dma_semaphore, #tpu.memory_space<semaphore_mem>>)
      %dma_wait3A_111 = arith.constant 0 : i32
      %dma_wait3A_112 = tpu.memref_slice %arg4[%run_scoped3A_35, %mul3A_34, %dma_wait3A_111] : memref<3x2560x125xi32, #tpu.memory_space<hbm>> -> memref<1x160x125xi32, #tpu.memory_space<hbm>>
      %dma_wait3A_113 = tpu.memref_squeeze %dma_wait3A_112 : memref<1x160x125xi32, #tpu.memory_space<hbm>> -> memref<160x125xi32, #tpu.memory_space<hbm>>
      %dma_wait3A_114 = arith.constant 0 : i32
      %dma_wait3A_115 = tpu.memref_slice %arg4[%run_scoped3A_35, %mul3A_34, %dma_wait3A_114] : memref<3x2560x125xi32, #tpu.memory_space<hbm>> -> memref<1x160x125xi32, #tpu.memory_space<hbm>>
      %dma_wait3A_116 = tpu.memref_squeeze %dma_wait3A_115 : memref<1x160x125xi32, #tpu.memory_space<hbm>> -> memref<160x125xi32, #tpu.memory_space<hbm>>
      tpu.wait_dma2 semaphore(%run_scoped3A_104 : memref<!tpu.dma_semaphore, #tpu.memory_space<semaphore_mem>>) src(%dma_wait3A_116 : memref<160x125xi32, #tpu.memory_space<hbm>>) dst(%arg8 : memref<160x125xi32, #tpu.memory_space<vmem>>)
      tpu.yield
    }) : () -> ()
    %mul3A_36 = arith.constant 216 : i32
    %mul3A_37 = arith.muli %arg1, %mul3A_36 : i32
    "tpu.region"() ({
      %run_scoped3A_104 = tpu.sem_alloc : memref<!tpu.dma_semaphore, #tpu.memory_space<semaphore_mem>>
      %dma_start3A_105 = arith.constant 0 : i32
      %dma_start3A_106 = tpu.memref_slice %arg12[%mul3A_37, %dma_start3A_105] : memref<3456x128xf32, #tpu.memory_space<vmem_shared>> -> memref<216x128xf32, #tpu.memory_space<vmem_shared>>
      %dma_start3A_107 = arith.constant 0 : i32
      %dma_start3A_108 = tpu.memref_slice %arg12[%mul3A_37, %dma_start3A_107] : memref<3456x128xf32, #tpu.memory_space<vmem_shared>> -> memref<216x128xf32, #tpu.memory_space<vmem_shared>>
      tpu.enqueue_dma source(%arg11 : memref<216x128xf32, #tpu.memory_space<vmem>>) target(%dma_start3A_108 : memref<216x128xf32, #tpu.memory_space<vmem_shared>>) target_semaphore(%run_scoped3A_104 : memref<!tpu.dma_semaphore, #tpu.memory_space<semaphore_mem>>)
      %dma_wait3A_109 = arith.constant 0 : i32
      %dma_wait3A_110 = tpu.memref_slice %arg12[%mul3A_37, %dma_wait3A_109] : memref<3456x128xf32, #tpu.memory_space<vmem_shared>> -> memref<216x128xf32, #tpu.memory_space<vmem_shared>>
      %dma_wait3A_111 = arith.constant 0 : i32
      %dma_wait3A_112 = tpu.memref_slice %arg12[%mul3A_37, %dma_wait3A_111] : memref<3456x128xf32, #tpu.memory_space<vmem_shared>> -> memref<216x128xf32, #tpu.memory_space<vmem_shared>>
      tpu.wait_dma2 semaphore(%run_scoped3A_104 : memref<!tpu.dma_semaphore, #tpu.memory_space<semaphore_mem>>) src(%arg11 : memref<216x128xf32, #tpu.memory_space<vmem>>) dst(%dma_wait3A_112 : memref<216x128xf32, #tpu.memory_space<vmem_shared>>)
      tpu.yield
    }) : () -> ()
    %barrier3A_38 = arith.constant 0 : index
    tpu.barrier barrier_id(%barrier3A_38)
    %dma_start3A_39 = arith.constant 0 : i32
    %dma_start3A_40 = arith.constant 0 : i32
    %dma_start3A_41 = tpu.memref_slice %arg7[%dma_start3A_39, %dma_start3A_40] : memref<160x125xi32, #tpu.memory_space<vmem>> -> memref<1x125xi32, #tpu.memory_space<vmem>>
    %dma_start3A_42 = tpu.memref_squeeze %dma_start3A_41 : memref<1x125xi32, #tpu.memory_space<vmem>> -> memref<125xi32, #tpu.memory_space<vmem>>
    %dma_start3A_43 = arith.constant 0 : i32
    %dma_start3A_44 = arith.constant 0 : i32
    %dma_start3A_45 = tpu.memref_slice %arg2[%dma_start3A_43, %dma_start3A_44] : memref<10128x128xf32, #tpu.memory_space<hbm>> -> memref<10128x128xf32, #tpu.memory_space<hbm>>
    tpu.enqueue_indirect_dma source(%dma_start3A_45 : memref<10128x128xf32, #tpu.memory_space<hbm>>) target(%arg9 : memref<125x128xf32, #tpu.memory_space<vmem>>) offsets(%dma_start3A_42 : memref<125xi32, #tpu.memory_space<vmem>>) semaphore(%arg13 : memref<!tpu.dma_semaphore, #tpu.memory_space<semaphore_mem>>)
    %scan3A_46 = arith.constant 0 : i32
    %scan3A_47 = arith.constant 0 : i32
    %scan3A_48 = arith.constant 80 : i32
    %scan3A_49 = arith.addi %scan3A_47, %scan3A_48 : i32
    %scan3A_50 = arith.constant 1 : i32
    scf.for %scan3A_104 = %scan3A_47 to %scan3A_49 step %scan3A_50  : i32 {
      %mul3A_105 = arith.constant 2 : i32
      %mul3A_106 = arith.muli %mul3A_105, %scan3A_104 : i32
      %mul3A_107 = arith.constant 2 : i32
      %mul3A_108 = arith.muli %mul3A_107, %scan3A_104 : i32
      %add3A_109 = arith.constant 1 : i32
      %add3A_110 = arith.addi %mul3A_108, %add3A_109 : i32
      %gt3A = arith.constant 0 : i32
      %gt3A_111 = arith.cmpi sgt, %scan3A_104, %gt3A : i32
      %convert_element_type3A = arith.extui %gt3A_111 : i1 to i32
      %cond3A = arith.constant 0 : i32
      %cond3A_112 = arith.cmpi ne, %convert_element_type3A, %cond3A : i32
      scf.if %cond3A_112 {
        %sub3A = arith.constant 2 : i32
        %sub3A_153 = arith.subi %add3A_110, %sub3A : i32
        %dma_wait3A_154 = arith.constant 0 : i32
        %dma_wait3A_155 = tpu.memref_slice %arg8[%sub3A_153, %dma_wait3A_154] : memref<160x125xi32, #tpu.memory_space<vmem>> -> memref<1x125xi32, #tpu.memory_space<vmem>>
        %dma_wait3A_156 = tpu.memref_squeeze %dma_wait3A_155 : memref<1x125xi32, #tpu.memory_space<vmem>> -> memref<125xi32, #tpu.memory_space<vmem>>
        %dma_wait3A_157 = arith.constant 0 : i32
        %dma_wait3A_158 = arith.constant 0 : i32
        %dma_wait3A_159 = tpu.memref_slice %arg12[%dma_wait3A_157, %dma_wait3A_158] : memref<3456x128xf32, #tpu.memory_space<vmem_shared>> -> memref<3456x128xf32, #tpu.memory_space<vmem_shared>>
        tpu.wait_indirect_dma semaphore(%arg16 : memref<!tpu.dma_semaphore, #tpu.memory_space<semaphore_mem>>) src(%arg10 : memref<125x128xf32, #tpu.memory_space<vmem>>) dst(%dma_wait3A_159 : memref<3456x128xf32, #tpu.memory_space<vmem_shared>>)
      } else {
      }
      %dma_start3A_113 = arith.constant 0 : i32
      %dma_start3A_114 = tpu.memref_slice %arg7[%add3A_110, %dma_start3A_113] : memref<160x125xi32, #tpu.memory_space<vmem>> -> memref<1x125xi32, #tpu.memory_space<vmem>>
      %dma_start3A_115 = tpu.memref_squeeze %dma_start3A_114 : memref<1x125xi32, #tpu.memory_space<vmem>> -> memref<125xi32, #tpu.memory_space<vmem>>
      %dma_start3A_116 = arith.constant 0 : i32
      %dma_start3A_117 = arith.constant 0 : i32
      %dma_start3A_118 = tpu.memref_slice %arg2[%dma_start3A_116, %dma_start3A_117] : memref<10128x128xf32, #tpu.memory_space<hbm>> -> memref<10128x128xf32, #tpu.memory_space<hbm>>
      tpu.enqueue_indirect_dma source(%dma_start3A_118 : memref<10128x128xf32, #tpu.memory_space<hbm>>) target(%arg10 : memref<125x128xf32, #tpu.memory_space<vmem>>) offsets(%dma_start3A_115 : memref<125xi32, #tpu.memory_space<vmem>>) semaphore(%arg14 : memref<!tpu.dma_semaphore, #tpu.memory_space<semaphore_mem>>)
      %dma_wait3A_119 = arith.constant 0 : i32
      %dma_wait3A_120 = tpu.memref_slice %arg7[%mul3A_106, %dma_wait3A_119] : memref<160x125xi32, #tpu.memory_space<vmem>> -> memref<1x125xi32, #tpu.memory_space<vmem>>
      %dma_wait3A_121 = tpu.memref_squeeze %dma_wait3A_120 : memref<1x125xi32, #tpu.memory_space<vmem>> -> memref<125xi32, #tpu.memory_space<vmem>>
      %dma_wait3A_122 = arith.constant 0 : i32
      %dma_wait3A_123 = arith.constant 0 : i32
      %dma_wait3A_124 = tpu.memref_slice %arg2[%dma_wait3A_122, %dma_wait3A_123] : memref<10128x128xf32, #tpu.memory_space<hbm>> -> memref<10128x128xf32, #tpu.memory_space<hbm>>
      tpu.wait_indirect_dma semaphore(%arg13 : memref<!tpu.dma_semaphore, #tpu.memory_space<semaphore_mem>>) src(%dma_wait3A_124 : memref<10128x128xf32, #tpu.memory_space<hbm>>) dst(%arg9 : memref<125x128xf32, #tpu.memory_space<vmem>>)
      %dma_start3A_125 = arith.constant 0 : i32
      %dma_start3A_126 = tpu.memref_slice %arg8[%mul3A_106, %dma_start3A_125] : memref<160x125xi32, #tpu.memory_space<vmem>> -> memref<1x125xi32, #tpu.memory_space<vmem>>
      %dma_start3A_127 = tpu.memref_squeeze %dma_start3A_126 : memref<1x125xi32, #tpu.memory_space<vmem>> -> memref<125xi32, #tpu.memory_space<vmem>>
      %dma_start3A_128 = arith.constant 0 : i32
      %dma_start3A_129 = arith.constant 0 : i32
      %dma_start3A_130 = tpu.memref_slice %arg12[%dma_start3A_128, %dma_start3A_129] : memref<3456x128xf32, #tpu.memory_space<vmem_shared>> -> memref<3456x128xf32, #tpu.memory_space<vmem_shared>>
      tpu.enqueue_indirect_dma source(%arg9 : memref<125x128xf32, #tpu.memory_space<vmem>>) target(%dma_start3A_130 : memref<3456x128xf32, #tpu.memory_space<vmem_shared>>) offsets(%dma_start3A_127 : memref<125xi32, #tpu.memory_space<vmem>>) semaphore(%arg15 : memref<!tpu.dma_semaphore, #tpu.memory_space<semaphore_mem>>) {add = true}
      %dma_wait3A_131 = arith.constant 0 : i32
      %dma_wait3A_132 = tpu.memref_slice %arg8[%mul3A_106, %dma_wait3A_131] : memref<160x125xi32, #tpu.memory_space<vmem>> -> memref<1x125xi32, #tpu.memory_space<vmem>>
      %dma_wait3A_133 = tpu.memref_squeeze %dma_wait3A_132 : memref<1x125xi32, #tpu.memory_space<vmem>> -> memref<125xi32, #tpu.memory_space<vmem>>
      %dma_wait3A_134 = arith.constant 0 : i32
      %dma_wait3A_135 = arith.constant 0 : i32
      %dma_wait3A_136 = tpu.memref_slice %arg12[%dma_wait3A_134, %dma_wait3A_135] : memref<3456x128xf32, #tpu.memory_space<vmem_shared>> -> memref<3456x128xf32, #tpu.memory_space<vmem_shared>>
      tpu.wait_indirect_dma semaphore(%arg15 : memref<!tpu.dma_semaphore, #tpu.memory_space<semaphore_mem>>) src(%arg9 : memref<125x128xf32, #tpu.memory_space<vmem>>) dst(%dma_wait3A_136 : memref<3456x128xf32, #tpu.memory_space<vmem_shared>>)
      %lt3A = arith.constant 79 : i32
      %lt3A_137 = arith.cmpi slt, %scan3A_104, %lt3A : i32
      %convert_element_type3A_138 = arith.extui %lt3A_137 : i1 to i32
      %cond3A_139 = arith.constant 0 : i32
      %cond3A_140 = arith.cmpi ne, %convert_element_type3A_138, %cond3A_139 : i32
      scf.if %cond3A_140 {
        %add3A_153 = arith.constant 2 : i32
        %add3A_154 = arith.addi %mul3A_106, %add3A_153 : i32
        %dma_start3A_155 = arith.constant 0 : i32
        %dma_start3A_156 = tpu.memref_slice %arg7[%add3A_154, %dma_start3A_155] : memref<160x125xi32, #tpu.memory_space<vmem>> -> memref<1x125xi32, #tpu.memory_space<vmem>>
        %dma_start3A_157 = tpu.memref_squeeze %dma_start3A_156 : memref<1x125xi32, #tpu.memory_space<vmem>> -> memref<125xi32, #tpu.memory_space<vmem>>
        %dma_start3A_158 = arith.constant 0 : i32
        %dma_start3A_159 = arith.constant 0 : i32
        %dma_start3A_160 = tpu.memref_slice %arg2[%dma_start3A_158, %dma_start3A_159] : memref<10128x128xf32, #tpu.memory_space<hbm>> -> memref<10128x128xf32, #tpu.memory_space<hbm>>
        tpu.enqueue_indirect_dma source(%dma_start3A_160 : memref<10128x128xf32, #tpu.memory_space<hbm>>) target(%arg9 : memref<125x128xf32, #tpu.memory_space<vmem>>) offsets(%dma_start3A_157 : memref<125xi32, #tpu.memory_space<vmem>>) semaphore(%arg13 : memref<!tpu.dma_semaphore, #tpu.memory_space<semaphore_mem>>)
      } else {
      }
      %dma_wait3A_141 = arith.constant 0 : i32
      %dma_wait3A_142 = tpu.memref_slice %arg7[%add3A_110, %dma_wait3A_141] : memref<160x125xi32, #tpu.memory_space<vmem>> -> memref<1x125xi32, #tpu.memory_space<vmem>>
      %dma_wait3A_143 = tpu.memref_squeeze %dma_wait3A_142 : memref<1x125xi32, #tpu.memory_space<vmem>> -> memref<125xi32, #tpu.memory_space<vmem>>
      %dma_wait3A_144 = arith.constant 0 : i32
      %dma_wait3A_145 = arith.constant 0 : i32
      %dma_wait3A_146 = tpu.memref_slice %arg2[%dma_wait3A_144, %dma_wait3A_145] : memref<10128x128xf32, #tpu.memory_space<hbm>> -> memref<10128x128xf32, #tpu.memory_space<hbm>>
      tpu.wait_indirect_dma semaphore(%arg14 : memref<!tpu.dma_semaphore, #tpu.memory_space<semaphore_mem>>) src(%dma_wait3A_146 : memref<10128x128xf32, #tpu.memory_space<hbm>>) dst(%arg10 : memref<125x128xf32, #tpu.memory_space<vmem>>)
      %dma_start3A_147 = arith.constant 0 : i32
      %dma_start3A_148 = tpu.memref_slice %arg8[%add3A_110, %dma_start3A_147] : memref<160x125xi32, #tpu.memory_space<vmem>> -> memref<1x125xi32, #tpu.memory_space<vmem>>
      %dma_start3A_149 = tpu.memref_squeeze %dma_start3A_148 : memref<1x125xi32, #tpu.memory_space<vmem>> -> memref<125xi32, #tpu.memory_space<vmem>>
      %dma_start3A_150 = arith.constant 0 : i32
      %dma_start3A_151 = arith.constant 0 : i32
      %dma_start3A_152 = tpu.memref_slice %arg12[%dma_start3A_150, %dma_start3A_151] : memref<3456x128xf32, #tpu.memory_space<vmem_shared>> -> memref<3456x128xf32, #tpu.memory_space<vmem_shared>>
      tpu.enqueue_indirect_dma source(%arg10 : memref<125x128xf32, #tpu.memory_space<vmem>>) target(%dma_start3A_152 : memref<3456x128xf32, #tpu.memory_space<vmem_shared>>) offsets(%dma_start3A_149 : memref<125xi32, #tpu.memory_space<vmem>>) semaphore(%arg16 : memref<!tpu.dma_semaphore, #tpu.memory_space<semaphore_mem>>) {add = true}
    }
    %scan3A_51 = arith.constant 80 : i32
    %dma_wait3A_52 = arith.constant 159 : i32
    %dma_wait3A_53 = arith.constant 0 : i32
    %dma_wait3A_54 = tpu.memref_slice %arg8[%dma_wait3A_52, %dma_wait3A_53] : memref<160x125xi32, #tpu.memory_space<vmem>> -> memref<1x125xi32, #tpu.memory_space<vmem>>
    %dma_wait3A_55 = tpu.memref_squeeze %dma_wait3A_54 : memref<1x125xi32, #tpu.memory_space<vmem>> -> memref<125xi32, #tpu.memory_space<vmem>>
    %dma_wait3A_56 = arith.constant 0 : i32
    %dma_wait3A_57 = arith.constant 0 : i32
    %dma_wait3A_58 = tpu.memref_slice %arg12[%dma_wait3A_56, %dma_wait3A_57] : memref<3456x128xf32, #tpu.memory_space<vmem_shared>> -> memref<3456x128xf32, #tpu.memory_space<vmem_shared>>
    tpu.wait_indirect_dma semaphore(%arg16 : memref<!tpu.dma_semaphore, #tpu.memory_space<semaphore_mem>>) src(%arg10 : memref<125x128xf32, #tpu.memory_space<vmem>>) dst(%dma_wait3A_58 : memref<3456x128xf32, #tpu.memory_space<vmem_shared>>)
    %barrier3A_59 = arith.constant 0 : index
    tpu.barrier barrier_id(%barrier3A_59)
    %mul3A_60 = arith.constant 216 : i32
    %mul3A_61 = arith.muli %arg1, %mul3A_60 : i32
    "tpu.region"() ({
      %run_scoped3A_104 = tpu.sem_alloc : memref<!tpu.dma_semaphore, #tpu.memory_space<semaphore_mem>>
      %dma_start3A_105 = arith.constant 0 : i32
      %dma_start3A_106 = tpu.memref_slice %arg12[%mul3A_61, %dma_start3A_105] : memref<3456x128xf32, #tpu.memory_space<vmem_shared>> -> memref<216x128xf32, #tpu.memory_space<vmem_shared>>
      %dma_start3A_107 = arith.constant 0 : i32
      %dma_start3A_108 = tpu.memref_slice %arg12[%mul3A_61, %dma_start3A_107] : memref<3456x128xf32, #tpu.memory_space<vmem_shared>> -> memref<216x128xf32, #tpu.memory_space<vmem_shared>>
      tpu.enqueue_dma source(%dma_start3A_108 : memref<216x128xf32, #tpu.memory_space<vmem_shared>>) target(%arg11 : memref<216x128xf32, #tpu.memory_space<vmem>>) target_semaphore(%run_scoped3A_104 : memref<!tpu.dma_semaphore, #tpu.memory_space<semaphore_mem>>)
      %dma_wait3A_109 = arith.constant 0 : i32
      %dma_wait3A_110 = tpu.memref_slice %arg12[%mul3A_61, %dma_wait3A_109] : memref<3456x128xf32, #tpu.memory_space<vmem_shared>> -> memref<216x128xf32, #tpu.memory_space<vmem_shared>>
      %dma_wait3A_111 = arith.constant 0 : i32
      %dma_wait3A_112 = tpu.memref_slice %arg12[%mul3A_61, %dma_wait3A_111] : memref<3456x128xf32, #tpu.memory_space<vmem_shared>> -> memref<216x128xf32, #tpu.memory_space<vmem_shared>>
      tpu.wait_dma2 semaphore(%run_scoped3A_104 : memref<!tpu.dma_semaphore, #tpu.memory_space<semaphore_mem>>) src(%dma_wait3A_112 : memref<216x128xf32, #tpu.memory_space<vmem_shared>>) dst(%arg11 : memref<216x128xf32, #tpu.memory_space<vmem>>)
      tpu.yield
    }) : () -> ()
    %mul3A_62 = arith.constant 216 : i32
    %mul3A_63 = arith.muli %arg1, %mul3A_62 : i32
    %add3A_64 = arith.constant 3456 : i32
    %add3A_65 = arith.addi %add3A_64, %mul3A_63 : i32
    "tpu.region"() ({
      %run_scoped3A_104 = tpu.sem_alloc : memref<!tpu.dma_semaphore, #tpu.memory_space<semaphore_mem>>
      %dma_start3A_105 = arith.constant 0 : i32
      %dma_start3A_106 = tpu.memref_slice %arg6[%add3A_65, %dma_start3A_105] : memref<10368x128xf32, #tpu.memory_space<hbm>> -> memref<216x128xf32, #tpu.memory_space<hbm>>
      %dma_start3A_107 = arith.constant 0 : i32
      %dma_start3A_108 = tpu.memref_slice %arg6[%add3A_65, %dma_start3A_107] : memref<10368x128xf32, #tpu.memory_space<hbm>> -> memref<216x128xf32, #tpu.memory_space<hbm>>
      tpu.enqueue_dma source(%arg11 : memref<216x128xf32, #tpu.memory_space<vmem>>) target(%dma_start3A_108 : memref<216x128xf32, #tpu.memory_space<hbm>>) target_semaphore(%run_scoped3A_104 : memref<!tpu.dma_semaphore, #tpu.memory_space<semaphore_mem>>)
      %dma_wait3A_109 = arith.constant 0 : i32
      %dma_wait3A_110 = tpu.memref_slice %arg6[%add3A_65, %dma_wait3A_109] : memref<10368x128xf32, #tpu.memory_space<hbm>> -> memref<216x128xf32, #tpu.memory_space<hbm>>
      %dma_wait3A_111 = arith.constant 0 : i32
      %dma_wait3A_112 = tpu.memref_slice %arg6[%add3A_65, %dma_wait3A_111] : memref<10368x128xf32, #tpu.memory_space<hbm>> -> memref<216x128xf32, #tpu.memory_space<hbm>>
      tpu.wait_dma2 semaphore(%run_scoped3A_104 : memref<!tpu.dma_semaphore, #tpu.memory_space<semaphore_mem>>) src(%arg11 : memref<216x128xf32, #tpu.memory_space<vmem>>) dst(%dma_wait3A_112 : memref<216x128xf32, #tpu.memory_space<hbm>>)
      tpu.yield
    }) : () -> ()
    %barrier3A_66 = arith.constant 0 : index
    tpu.barrier barrier_id(%barrier3A_66)
    "tpu.region"() ({
      %run_scoped3A_104 = tpu.sem_alloc : memref<!tpu.dma_semaphore, #tpu.memory_space<semaphore_mem>>
      tpu.enqueue_dma source(%arg5 : memref<216x128xf32, #tpu.memory_space<hbm>>) target(%arg11 : memref<216x128xf32, #tpu.memory_space<vmem>>) target_semaphore(%run_scoped3A_104 : memref<!tpu.dma_semaphore, #tpu.memory_space<semaphore_mem>>)
      tpu.wait_dma2 semaphore(%run_scoped3A_104 : memref<!tpu.dma_semaphore, #tpu.memory_space<semaphore_mem>>) src(%arg5 : memref<216x128xf32, #tpu.memory_space<hbm>>) dst(%arg11 : memref<216x128xf32, #tpu.memory_space<vmem>>)
      tpu.yield
    }) : () -> ()
    %mul3A_67 = arith.constant 160 : i32
    %mul3A_68 = arith.muli %arg1, %mul3A_67 : i32
    %run_scoped3A_69 = arith.constant 2 : i32
    "tpu.region"() ({
      %run_scoped3A_104 = tpu.sem_alloc : memref<!tpu.dma_semaphore, #tpu.memory_space<semaphore_mem>>
      %dma_start3A_105 = arith.constant 0 : i32
      %dma_start3A_106 = tpu.memref_slice %arg3[%run_scoped3A_69, %mul3A_68, %dma_start3A_105] : memref<3x2560x125xi32, #tpu.memory_space<hbm>> -> memref<1x160x125xi32, #tpu.memory_space<hbm>>
      %dma_start3A_107 = tpu.memref_squeeze %dma_start3A_106 : memref<1x160x125xi32, #tpu.memory_space<hbm>> -> memref<160x125xi32, #tpu.memory_space<hbm>>
      %dma_start3A_108 = arith.constant 0 : i32
      %dma_start3A_109 = tpu.memref_slice %arg3[%run_scoped3A_69, %mul3A_68, %dma_start3A_108] : memref<3x2560x125xi32, #tpu.memory_space<hbm>> -> memref<1x160x125xi32, #tpu.memory_space<hbm>>
      %dma_start3A_110 = tpu.memref_squeeze %dma_start3A_109 : memref<1x160x125xi32, #tpu.memory_space<hbm>> -> memref<160x125xi32, #tpu.memory_space<hbm>>
      tpu.enqueue_dma source(%dma_start3A_110 : memref<160x125xi32, #tpu.memory_space<hbm>>) target(%arg7 : memref<160x125xi32, #tpu.memory_space<vmem>>) target_semaphore(%run_scoped3A_104 : memref<!tpu.dma_semaphore, #tpu.memory_space<semaphore_mem>>)
      %dma_wait3A_111 = arith.constant 0 : i32
      %dma_wait3A_112 = tpu.memref_slice %arg3[%run_scoped3A_69, %mul3A_68, %dma_wait3A_111] : memref<3x2560x125xi32, #tpu.memory_space<hbm>> -> memref<1x160x125xi32, #tpu.memory_space<hbm>>
      %dma_wait3A_113 = tpu.memref_squeeze %dma_wait3A_112 : memref<1x160x125xi32, #tpu.memory_space<hbm>> -> memref<160x125xi32, #tpu.memory_space<hbm>>
      %dma_wait3A_114 = arith.constant 0 : i32
      %dma_wait3A_115 = tpu.memref_slice %arg3[%run_scoped3A_69, %mul3A_68, %dma_wait3A_114] : memref<3x2560x125xi32, #tpu.memory_space<hbm>> -> memref<1x160x125xi32, #tpu.memory_space<hbm>>
      %dma_wait3A_116 = tpu.memref_squeeze %dma_wait3A_115 : memref<1x160x125xi32, #tpu.memory_space<hbm>> -> memref<160x125xi32, #tpu.memory_space<hbm>>
      tpu.wait_dma2 semaphore(%run_scoped3A_104 : memref<!tpu.dma_semaphore, #tpu.memory_space<semaphore_mem>>) src(%dma_wait3A_116 : memref<160x125xi32, #tpu.memory_space<hbm>>) dst(%arg7 : memref<160x125xi32, #tpu.memory_space<vmem>>)
      tpu.yield
    }) : () -> ()
    %mul3A_70 = arith.constant 160 : i32
    %mul3A_71 = arith.muli %arg1, %mul3A_70 : i32
    %run_scoped3A_72 = arith.constant 2 : i32
    "tpu.region"() ({
      %run_scoped3A_104 = tpu.sem_alloc : memref<!tpu.dma_semaphore, #tpu.memory_space<semaphore_mem>>
      %dma_start3A_105 = arith.constant 0 : i32
      %dma_start3A_106 = tpu.memref_slice %arg4[%run_scoped3A_72, %mul3A_71, %dma_start3A_105] : memref<3x2560x125xi32, #tpu.memory_space<hbm>> -> memref<1x160x125xi32, #tpu.memory_space<hbm>>
      %dma_start3A_107 = tpu.memref_squeeze %dma_start3A_106 : memref<1x160x125xi32, #tpu.memory_space<hbm>> -> memref<160x125xi32, #tpu.memory_space<hbm>>
      %dma_start3A_108 = arith.constant 0 : i32
      %dma_start3A_109 = tpu.memref_slice %arg4[%run_scoped3A_72, %mul3A_71, %dma_start3A_108] : memref<3x2560x125xi32, #tpu.memory_space<hbm>> -> memref<1x160x125xi32, #tpu.memory_space<hbm>>
      %dma_start3A_110 = tpu.memref_squeeze %dma_start3A_109 : memref<1x160x125xi32, #tpu.memory_space<hbm>> -> memref<160x125xi32, #tpu.memory_space<hbm>>
      tpu.enqueue_dma source(%dma_start3A_110 : memref<160x125xi32, #tpu.memory_space<hbm>>) target(%arg8 : memref<160x125xi32, #tpu.memory_space<vmem>>) target_semaphore(%run_scoped3A_104 : memref<!tpu.dma_semaphore, #tpu.memory_space<semaphore_mem>>)
      %dma_wait3A_111 = arith.constant 0 : i32
      %dma_wait3A_112 = tpu.memref_slice %arg4[%run_scoped3A_72, %mul3A_71, %dma_wait3A_111] : memref<3x2560x125xi32, #tpu.memory_space<hbm>> -> memref<1x160x125xi32, #tpu.memory_space<hbm>>
      %dma_wait3A_113 = tpu.memref_squeeze %dma_wait3A_112 : memref<1x160x125xi32, #tpu.memory_space<hbm>> -> memref<160x125xi32, #tpu.memory_space<hbm>>
      %dma_wait3A_114 = arith.constant 0 : i32
      %dma_wait3A_115 = tpu.memref_slice %arg4[%run_scoped3A_72, %mul3A_71, %dma_wait3A_114] : memref<3x2560x125xi32, #tpu.memory_space<hbm>> -> memref<1x160x125xi32, #tpu.memory_space<hbm>>
      %dma_wait3A_116 = tpu.memref_squeeze %dma_wait3A_115 : memref<1x160x125xi32, #tpu.memory_space<hbm>> -> memref<160x125xi32, #tpu.memory_space<hbm>>
      tpu.wait_dma2 semaphore(%run_scoped3A_104 : memref<!tpu.dma_semaphore, #tpu.memory_space<semaphore_mem>>) src(%dma_wait3A_116 : memref<160x125xi32, #tpu.memory_space<hbm>>) dst(%arg8 : memref<160x125xi32, #tpu.memory_space<vmem>>)
      tpu.yield
    }) : () -> ()
    %mul3A_73 = arith.constant 216 : i32
    %mul3A_74 = arith.muli %arg1, %mul3A_73 : i32
    "tpu.region"() ({
      %run_scoped3A_104 = tpu.sem_alloc : memref<!tpu.dma_semaphore, #tpu.memory_space<semaphore_mem>>
      %dma_start3A_105 = arith.constant 0 : i32
      %dma_start3A_106 = tpu.memref_slice %arg12[%mul3A_74, %dma_start3A_105] : memref<3456x128xf32, #tpu.memory_space<vmem_shared>> -> memref<216x128xf32, #tpu.memory_space<vmem_shared>>
      %dma_start3A_107 = arith.constant 0 : i32
      %dma_start3A_108 = tpu.memref_slice %arg12[%mul3A_74, %dma_start3A_107] : memref<3456x128xf32, #tpu.memory_space<vmem_shared>> -> memref<216x128xf32, #tpu.memory_space<vmem_shared>>
      tpu.enqueue_dma source(%arg11 : memref<216x128xf32, #tpu.memory_space<vmem>>) target(%dma_start3A_108 : memref<216x128xf32, #tpu.memory_space<vmem_shared>>) target_semaphore(%run_scoped3A_104 : memref<!tpu.dma_semaphore, #tpu.memory_space<semaphore_mem>>)
      %dma_wait3A_109 = arith.constant 0 : i32
      %dma_wait3A_110 = tpu.memref_slice %arg12[%mul3A_74, %dma_wait3A_109] : memref<3456x128xf32, #tpu.memory_space<vmem_shared>> -> memref<216x128xf32, #tpu.memory_space<vmem_shared>>
      %dma_wait3A_111 = arith.constant 0 : i32
      %dma_wait3A_112 = tpu.memref_slice %arg12[%mul3A_74, %dma_wait3A_111] : memref<3456x128xf32, #tpu.memory_space<vmem_shared>> -> memref<216x128xf32, #tpu.memory_space<vmem_shared>>
      tpu.wait_dma2 semaphore(%run_scoped3A_104 : memref<!tpu.dma_semaphore, #tpu.memory_space<semaphore_mem>>) src(%arg11 : memref<216x128xf32, #tpu.memory_space<vmem>>) dst(%dma_wait3A_112 : memref<216x128xf32, #tpu.memory_space<vmem_shared>>)
      tpu.yield
    }) : () -> ()
    %barrier3A_75 = arith.constant 0 : index
    tpu.barrier barrier_id(%barrier3A_75)
    %dma_start3A_76 = arith.constant 0 : i32
    %dma_start3A_77 = arith.constant 0 : i32
    %dma_start3A_78 = tpu.memref_slice %arg7[%dma_start3A_76, %dma_start3A_77] : memref<160x125xi32, #tpu.memory_space<vmem>> -> memref<1x125xi32, #tpu.memory_space<vmem>>
    %dma_start3A_79 = tpu.memref_squeeze %dma_start3A_78 : memref<1x125xi32, #tpu.memory_space<vmem>> -> memref<125xi32, #tpu.memory_space<vmem>>
    %dma_start3A_80 = arith.constant 0 : i32
    %dma_start3A_81 = arith.constant 0 : i32
    %dma_start3A_82 = tpu.memref_slice %arg2[%dma_start3A_80, %dma_start3A_81] : memref<10128x128xf32, #tpu.memory_space<hbm>> -> memref<10128x128xf32, #tpu.memory_space<hbm>>
    tpu.enqueue_indirect_dma source(%dma_start3A_82 : memref<10128x128xf32, #tpu.memory_space<hbm>>) target(%arg9 : memref<125x128xf32, #tpu.memory_space<vmem>>) offsets(%dma_start3A_79 : memref<125xi32, #tpu.memory_space<vmem>>) semaphore(%arg13 : memref<!tpu.dma_semaphore, #tpu.memory_space<semaphore_mem>>)
    %scan3A_83 = arith.constant 0 : i32
    %scan3A_84 = arith.constant 0 : i32
    %scan3A_85 = arith.constant 80 : i32
    %scan3A_86 = arith.addi %scan3A_84, %scan3A_85 : i32
    %scan3A_87 = arith.constant 1 : i32
    scf.for %scan3A_104 = %scan3A_84 to %scan3A_86 step %scan3A_87  : i32 {
      %mul3A_105 = arith.constant 2 : i32
      %mul3A_106 = arith.muli %mul3A_105, %scan3A_104 : i32
      %mul3A_107 = arith.constant 2 : i32
      %mul3A_108 = arith.muli %mul3A_107, %scan3A_104 : i32
      %add3A_109 = arith.constant 1 : i32
      %add3A_110 = arith.addi %mul3A_108, %add3A_109 : i32
      %gt3A = arith.constant 0 : i32
      %gt3A_111 = arith.cmpi sgt, %scan3A_104, %gt3A : i32
      %convert_element_type3A = arith.extui %gt3A_111 : i1 to i32
      %cond3A = arith.constant 0 : i32
      %cond3A_112 = arith.cmpi ne, %convert_element_type3A, %cond3A : i32
      scf.if %cond3A_112 {
        %sub3A = arith.constant 2 : i32
        %sub3A_153 = arith.subi %add3A_110, %sub3A : i32
        %dma_wait3A_154 = arith.constant 0 : i32
        %dma_wait3A_155 = tpu.memref_slice %arg8[%sub3A_153, %dma_wait3A_154] : memref<160x125xi32, #tpu.memory_space<vmem>> -> memref<1x125xi32, #tpu.memory_space<vmem>>
        %dma_wait3A_156 = tpu.memref_squeeze %dma_wait3A_155 : memref<1x125xi32, #tpu.memory_space<vmem>> -> memref<125xi32, #tpu.memory_space<vmem>>
        %dma_wait3A_157 = arith.constant 0 : i32
        %dma_wait3A_158 = arith.constant 0 : i32
        %dma_wait3A_159 = tpu.memref_slice %arg12[%dma_wait3A_157, %dma_wait3A_158] : memref<3456x128xf32, #tpu.memory_space<vmem_shared>> -> memref<3456x128xf32, #tpu.memory_space<vmem_shared>>
        tpu.wait_indirect_dma semaphore(%arg16 : memref<!tpu.dma_semaphore, #tpu.memory_space<semaphore_mem>>) src(%arg10 : memref<125x128xf32, #tpu.memory_space<vmem>>) dst(%dma_wait3A_159 : memref<3456x128xf32, #tpu.memory_space<vmem_shared>>)
      } else {
      }
      %dma_start3A_113 = arith.constant 0 : i32
      %dma_start3A_114 = tpu.memref_slice %arg7[%add3A_110, %dma_start3A_113] : memref<160x125xi32, #tpu.memory_space<vmem>> -> memref<1x125xi32, #tpu.memory_space<vmem>>
      %dma_start3A_115 = tpu.memref_squeeze %dma_start3A_114 : memref<1x125xi32, #tpu.memory_space<vmem>> -> memref<125xi32, #tpu.memory_space<vmem>>
      %dma_start3A_116 = arith.constant 0 : i32
      %dma_start3A_117 = arith.constant 0 : i32
      %dma_start3A_118 = tpu.memref_slice %arg2[%dma_start3A_116, %dma_start3A_117] : memref<10128x128xf32, #tpu.memory_space<hbm>> -> memref<10128x128xf32, #tpu.memory_space<hbm>>
      tpu.enqueue_indirect_dma source(%dma_start3A_118 : memref<10128x128xf32, #tpu.memory_space<hbm>>) target(%arg10 : memref<125x128xf32, #tpu.memory_space<vmem>>) offsets(%dma_start3A_115 : memref<125xi32, #tpu.memory_space<vmem>>) semaphore(%arg14 : memref<!tpu.dma_semaphore, #tpu.memory_space<semaphore_mem>>)
      %dma_wait3A_119 = arith.constant 0 : i32
      %dma_wait3A_120 = tpu.memref_slice %arg7[%mul3A_106, %dma_wait3A_119] : memref<160x125xi32, #tpu.memory_space<vmem>> -> memref<1x125xi32, #tpu.memory_space<vmem>>
      %dma_wait3A_121 = tpu.memref_squeeze %dma_wait3A_120 : memref<1x125xi32, #tpu.memory_space<vmem>> -> memref<125xi32, #tpu.memory_space<vmem>>
      %dma_wait3A_122 = arith.constant 0 : i32
      %dma_wait3A_123 = arith.constant 0 : i32
      %dma_wait3A_124 = tpu.memref_slice %arg2[%dma_wait3A_122, %dma_wait3A_123] : memref<10128x128xf32, #tpu.memory_space<hbm>> -> memref<10128x128xf32, #tpu.memory_space<hbm>>
      tpu.wait_indirect_dma semaphore(%arg13 : memref<!tpu.dma_semaphore, #tpu.memory_space<semaphore_mem>>) src(%dma_wait3A_124 : memref<10128x128xf32, #tpu.memory_space<hbm>>) dst(%arg9 : memref<125x128xf32, #tpu.memory_space<vmem>>)
      %dma_start3A_125 = arith.constant 0 : i32
      %dma_start3A_126 = tpu.memref_slice %arg8[%mul3A_106, %dma_start3A_125] : memref<160x125xi32, #tpu.memory_space<vmem>> -> memref<1x125xi32, #tpu.memory_space<vmem>>
      %dma_start3A_127 = tpu.memref_squeeze %dma_start3A_126 : memref<1x125xi32, #tpu.memory_space<vmem>> -> memref<125xi32, #tpu.memory_space<vmem>>
      %dma_start3A_128 = arith.constant 0 : i32
      %dma_start3A_129 = arith.constant 0 : i32
      %dma_start3A_130 = tpu.memref_slice %arg12[%dma_start3A_128, %dma_start3A_129] : memref<3456x128xf32, #tpu.memory_space<vmem_shared>> -> memref<3456x128xf32, #tpu.memory_space<vmem_shared>>
      tpu.enqueue_indirect_dma source(%arg9 : memref<125x128xf32, #tpu.memory_space<vmem>>) target(%dma_start3A_130 : memref<3456x128xf32, #tpu.memory_space<vmem_shared>>) offsets(%dma_start3A_127 : memref<125xi32, #tpu.memory_space<vmem>>) semaphore(%arg15 : memref<!tpu.dma_semaphore, #tpu.memory_space<semaphore_mem>>) {add = true}
      %dma_wait3A_131 = arith.constant 0 : i32
      %dma_wait3A_132 = tpu.memref_slice %arg8[%mul3A_106, %dma_wait3A_131] : memref<160x125xi32, #tpu.memory_space<vmem>> -> memref<1x125xi32, #tpu.memory_space<vmem>>
      %dma_wait3A_133 = tpu.memref_squeeze %dma_wait3A_132 : memref<1x125xi32, #tpu.memory_space<vmem>> -> memref<125xi32, #tpu.memory_space<vmem>>
      %dma_wait3A_134 = arith.constant 0 : i32
      %dma_wait3A_135 = arith.constant 0 : i32
      %dma_wait3A_136 = tpu.memref_slice %arg12[%dma_wait3A_134, %dma_wait3A_135] : memref<3456x128xf32, #tpu.memory_space<vmem_shared>> -> memref<3456x128xf32, #tpu.memory_space<vmem_shared>>
      tpu.wait_indirect_dma semaphore(%arg15 : memref<!tpu.dma_semaphore, #tpu.memory_space<semaphore_mem>>) src(%arg9 : memref<125x128xf32, #tpu.memory_space<vmem>>) dst(%dma_wait3A_136 : memref<3456x128xf32, #tpu.memory_space<vmem_shared>>)
      %lt3A = arith.constant 79 : i32
      %lt3A_137 = arith.cmpi slt, %scan3A_104, %lt3A : i32
      %convert_element_type3A_138 = arith.extui %lt3A_137 : i1 to i32
      %cond3A_139 = arith.constant 0 : i32
      %cond3A_140 = arith.cmpi ne, %convert_element_type3A_138, %cond3A_139 : i32
      scf.if %cond3A_140 {
        %add3A_153 = arith.constant 2 : i32
        %add3A_154 = arith.addi %mul3A_106, %add3A_153 : i32
        %dma_start3A_155 = arith.constant 0 : i32
        %dma_start3A_156 = tpu.memref_slice %arg7[%add3A_154, %dma_start3A_155] : memref<160x125xi32, #tpu.memory_space<vmem>> -> memref<1x125xi32, #tpu.memory_space<vmem>>
        %dma_start3A_157 = tpu.memref_squeeze %dma_start3A_156 : memref<1x125xi32, #tpu.memory_space<vmem>> -> memref<125xi32, #tpu.memory_space<vmem>>
        %dma_start3A_158 = arith.constant 0 : i32
        %dma_start3A_159 = arith.constant 0 : i32
        %dma_start3A_160 = tpu.memref_slice %arg2[%dma_start3A_158, %dma_start3A_159] : memref<10128x128xf32, #tpu.memory_space<hbm>> -> memref<10128x128xf32, #tpu.memory_space<hbm>>
        tpu.enqueue_indirect_dma source(%dma_start3A_160 : memref<10128x128xf32, #tpu.memory_space<hbm>>) target(%arg9 : memref<125x128xf32, #tpu.memory_space<vmem>>) offsets(%dma_start3A_157 : memref<125xi32, #tpu.memory_space<vmem>>) semaphore(%arg13 : memref<!tpu.dma_semaphore, #tpu.memory_space<semaphore_mem>>)
      } else {
      }
      %dma_wait3A_141 = arith.constant 0 : i32
      %dma_wait3A_142 = tpu.memref_slice %arg7[%add3A_110, %dma_wait3A_141] : memref<160x125xi32, #tpu.memory_space<vmem>> -> memref<1x125xi32, #tpu.memory_space<vmem>>
      %dma_wait3A_143 = tpu.memref_squeeze %dma_wait3A_142 : memref<1x125xi32, #tpu.memory_space<vmem>> -> memref<125xi32, #tpu.memory_space<vmem>>
      %dma_wait3A_144 = arith.constant 0 : i32
      %dma_wait3A_145 = arith.constant 0 : i32
      %dma_wait3A_146 = tpu.memref_slice %arg2[%dma_wait3A_144, %dma_wait3A_145] : memref<10128x128xf32, #tpu.memory_space<hbm>> -> memref<10128x128xf32, #tpu.memory_space<hbm>>
      tpu.wait_indirect_dma semaphore(%arg14 : memref<!tpu.dma_semaphore, #tpu.memory_space<semaphore_mem>>) src(%dma_wait3A_146 : memref<10128x128xf32, #tpu.memory_space<hbm>>) dst(%arg10 : memref<125x128xf32, #tpu.memory_space<vmem>>)
      %dma_start3A_147 = arith.constant 0 : i32
      %dma_start3A_148 = tpu.memref_slice %arg8[%add3A_110, %dma_start3A_147] : memref<160x125xi32, #tpu.memory_space<vmem>> -> memref<1x125xi32, #tpu.memory_space<vmem>>
      %dma_start3A_149 = tpu.memref_squeeze %dma_start3A_148 : memref<1x125xi32, #tpu.memory_space<vmem>> -> memref<125xi32, #tpu.memory_space<vmem>>
      %dma_start3A_150 = arith.constant 0 : i32
      %dma_start3A_151 = arith.constant 0 : i32
      %dma_start3A_152 = tpu.memref_slice %arg12[%dma_start3A_150, %dma_start3A_151] : memref<3456x128xf32, #tpu.memory_space<vmem_shared>> -> memref<3456x128xf32, #tpu.memory_space<vmem_shared>>
      tpu.enqueue_indirect_dma source(%arg10 : memref<125x128xf32, #tpu.memory_space<vmem>>) target(%dma_start3A_152 : memref<3456x128xf32, #tpu.memory_space<vmem_shared>>) offsets(%dma_start3A_149 : memref<125xi32, #tpu.memory_space<vmem>>) semaphore(%arg16 : memref<!tpu.dma_semaphore, #tpu.memory_space<semaphore_mem>>) {add = true}
    }
    %scan3A_88 = arith.constant 80 : i32
    %dma_wait3A_89 = arith.constant 159 : i32
    %dma_wait3A_90 = arith.constant 0 : i32
    %dma_wait3A_91 = tpu.memref_slice %arg8[%dma_wait3A_89, %dma_wait3A_90] : memref<160x125xi32, #tpu.memory_space<vmem>> -> memref<1x125xi32, #tpu.memory_space<vmem>>
    %dma_wait3A_92 = tpu.memref_squeeze %dma_wait3A_91 : memref<1x125xi32, #tpu.memory_space<vmem>> -> memref<125xi32, #tpu.memory_space<vmem>>
    %dma_wait3A_93 = arith.constant 0 : i32
    %dma_wait3A_94 = arith.constant 0 : i32
    %dma_wait3A_95 = tpu.memref_slice %arg12[%dma_wait3A_93, %dma_wait3A_94] : memref<3456x128xf32, #tpu.memory_space<vmem_shared>> -> memref<3456x128xf32, #tpu.memory_space<vmem_shared>>
    tpu.wait_indirect_dma semaphore(%arg16 : memref<!tpu.dma_semaphore, #tpu.memory_space<semaphore_mem>>) src(%arg10 : memref<125x128xf32, #tpu.memory_space<vmem>>) dst(%dma_wait3A_95 : memref<3456x128xf32, #tpu.memory_space<vmem_shared>>)
    %barrier3A_96 = arith.constant 0 : index
    tpu.barrier barrier_id(%barrier3A_96)
    %mul3A_97 = arith.constant 216 : i32
    %mul3A_98 = arith.muli %arg1, %mul3A_97 : i32
    "tpu.region"() ({
      %run_scoped3A_104 = tpu.sem_alloc : memref<!tpu.dma_semaphore, #tpu.memory_space<semaphore_mem>>
      %dma_start3A_105 = arith.constant 0 : i32
      %dma_start3A_106 = tpu.memref_slice %arg12[%mul3A_98, %dma_start3A_105] : memref<3456x128xf32, #tpu.memory_space<vmem_shared>> -> memref<216x128xf32, #tpu.memory_space<vmem_shared>>
      %dma_start3A_107 = arith.constant 0 : i32
      %dma_start3A_108 = tpu.memref_slice %arg12[%mul3A_98, %dma_start3A_107] : memref<3456x128xf32, #tpu.memory_space<vmem_shared>> -> memref<216x128xf32, #tpu.memory_space<vmem_shared>>
      tpu.enqueue_dma source(%dma_start3A_108 : memref<216x128xf32, #tpu.memory_space<vmem_shared>>) target(%arg11 : memref<216x128xf32, #tpu.memory_space<vmem>>) target_semaphore(%run_scoped3A_104 : memref<!tpu.dma_semaphore, #tpu.memory_space<semaphore_mem>>)
      %dma_wait3A_109 = arith.constant 0 : i32
      %dma_wait3A_110 = tpu.memref_slice %arg12[%mul3A_98, %dma_wait3A_109] : memref<3456x128xf32, #tpu.memory_space<vmem_shared>> -> memref<216x128xf32, #tpu.memory_space<vmem_shared>>
      %dma_wait3A_111 = arith.constant 0 : i32
      %dma_wait3A_112 = tpu.memref_slice %arg12[%mul3A_98, %dma_wait3A_111] : memref<3456x128xf32, #tpu.memory_space<vmem_shared>> -> memref<216x128xf32, #tpu.memory_space<vmem_shared>>
      tpu.wait_dma2 semaphore(%run_scoped3A_104 : memref<!tpu.dma_semaphore, #tpu.memory_space<semaphore_mem>>) src(%dma_wait3A_112 : memref<216x128xf32, #tpu.memory_space<vmem_shared>>) dst(%arg11 : memref<216x128xf32, #tpu.memory_space<vmem>>)
      tpu.yield
    }) : () -> ()
    %mul3A_99 = arith.constant 216 : i32
    %mul3A_100 = arith.muli %arg1, %mul3A_99 : i32
    %add3A_101 = arith.constant 6912 : i32
    %add3A_102 = arith.addi %add3A_101, %mul3A_100 : i32
    "tpu.region"() ({
      %run_scoped3A_104 = tpu.sem_alloc : memref<!tpu.dma_semaphore, #tpu.memory_space<semaphore_mem>>
      %dma_start3A_105 = arith.constant 0 : i32
      %dma_start3A_106 = tpu.memref_slice %arg6[%add3A_102, %dma_start3A_105] : memref<10368x128xf32, #tpu.memory_space<hbm>> -> memref<216x128xf32, #tpu.memory_space<hbm>>
      %dma_start3A_107 = arith.constant 0 : i32
      %dma_start3A_108 = tpu.memref_slice %arg6[%add3A_102, %dma_start3A_107] : memref<10368x128xf32, #tpu.memory_space<hbm>> -> memref<216x128xf32, #tpu.memory_space<hbm>>
      tpu.enqueue_dma source(%arg11 : memref<216x128xf32, #tpu.memory_space<vmem>>) target(%dma_start3A_108 : memref<216x128xf32, #tpu.memory_space<hbm>>) target_semaphore(%run_scoped3A_104 : memref<!tpu.dma_semaphore, #tpu.memory_space<semaphore_mem>>)
      %dma_wait3A_109 = arith.constant 0 : i32
      %dma_wait3A_110 = tpu.memref_slice %arg6[%add3A_102, %dma_wait3A_109] : memref<10368x128xf32, #tpu.memory_space<hbm>> -> memref<216x128xf32, #tpu.memory_space<hbm>>
      %dma_wait3A_111 = arith.constant 0 : i32
      %dma_wait3A_112 = tpu.memref_slice %arg6[%add3A_102, %dma_wait3A_111] : memref<10368x128xf32, #tpu.memory_space<hbm>> -> memref<216x128xf32, #tpu.memory_space<hbm>>
      tpu.wait_dma2 semaphore(%run_scoped3A_104 : memref<!tpu.dma_semaphore, #tpu.memory_space<semaphore_mem>>) src(%arg11 : memref<216x128xf32, #tpu.memory_space<vmem>>) dst(%dma_wait3A_112 : memref<216x128xf32, #tpu.memory_space<hbm>>)
      tpu.yield
    }) : () -> ()
    %barrier3A_103 = arith.constant 0 : index
    tpu.barrier barrier_id(%barrier3A_103)
    "tpu.region"() ({
      %run_scoped3A_104 = tpu.sem_alloc : memref<!tpu.dma_semaphore, #tpu.memory_space<semaphore_mem>>
      tpu.enqueue_dma source(%arg5 : memref<216x128xf32, #tpu.memory_space<hbm>>) target(%arg11 : memref<216x128xf32, #tpu.memory_space<vmem>>) target_semaphore(%run_scoped3A_104 : memref<!tpu.dma_semaphore, #tpu.memory_space<semaphore_mem>>)
      tpu.wait_dma2 semaphore(%run_scoped3A_104 : memref<!tpu.dma_semaphore, #tpu.memory_space<semaphore_mem>>) src(%arg5 : memref<216x128xf32, #tpu.memory_space<hbm>>) dst(%arg11 : memref<216x128xf32, #tpu.memory_space<vmem>>)
      tpu.yield
    }) : () -> ()
    return
  }
}

module attributes {stable_mosaic.version = 14 : i64} {
  func.func @_tc_contrib_body(%arg0: i32, %arg1: memref<1280x128xf32, #tpu.memory_space<vmem>>, %arg2: memref<1280x16xf32, #tpu.memory_space<vmem>>, %arg3: memref<128x2xf32, #tpu.memory_space<vmem>>, %arg4: memref<16x2xf32, #tpu.memory_space<vmem>>, %arg5: memref<1x2xf32, #tpu.memory_space<vmem>>, %arg6: memref<1280x2xf32, #tpu.memory_space<vmem>>) attributes {dimension_semantics = [#tpu.dimension_semantics<arbitrary>], iteration_bounds = array<i64: 250>, scalar_prefetch = 0 : i64, scratch_operands = 0 : i64, tpu.core_type = #tpu.core_type<tc>, window_params = [{transform_indices = @transform_0, window_bounds = array<i64: 1280, 128>}, {transform_indices = @transform_1, window_bounds = array<i64: 1280, 16>}, {pipeline_mode = #tpu.pipeline_mode<synchronous>, transform_indices = @transform_2, window_bounds = array<i64: 128, 2>}, {pipeline_mode = #tpu.pipeline_mode<synchronous>, transform_indices = @transform_3, window_bounds = array<i64: 16, 2>}, {pipeline_mode = #tpu.pipeline_mode<synchronous>, transform_indices = @transform_4, window_bounds = array<i64: 1, 2>}, {transform_indices = @transform_5, window_bounds = array<i64: 1280, 2>}]} {
    %get3A = arith.constant 0 : index
    %get3A_0 = arith.constant 0 : index
    %get3A_1 = vector.load %arg1[%get3A, %get3A_0] : memref<1280x128xf32, #tpu.memory_space<vmem>>, vector<1280x128xf32>
    %get3A_2 = arith.constant 0 : index
    %get3A_3 = arith.constant 0 : index
    %get3A_4 = vector.load %arg3[%get3A_2, %get3A_3] : memref<128x2xf32, #tpu.memory_space<vmem>>, vector<128x2xf32>
    %dot_general3A = arith.constant dense<0.000000e+00> : vector<1280x2xf32>
    %dot_general3A_5 = tpu.matmul %get3A_1, %get3A_4, %dot_general3A {dimension_numbers = #tpu.dot_dimension_numbers<[1], [0], [0], [1], [0, 0, 1, 1], [], []>, transpose_lhs_hint = false} : vector<1280x128xf32>, vector<128x2xf32>, vector<1280x2xf32> -> vector<1280x2xf32>
    %get3A_6 = arith.constant 0 : index
    %get3A_7 = arith.constant 0 : index
    %get3A_8 = vector.load %arg2[%get3A_6, %get3A_7] : memref<1280x16xf32, #tpu.memory_space<vmem>>, vector<1280x16xf32>
    %get3A_9 = arith.constant 0 : index
    %get3A_10 = arith.constant 0 : index
    %get3A_11 = vector.load %arg4[%get3A_9, %get3A_10] : memref<16x2xf32, #tpu.memory_space<vmem>>, vector<16x2xf32>
    %dot_general3A_12 = arith.constant dense<0.000000e+00> : vector<1280x2xf32>
    %dot_general3A_13 = tpu.matmul %get3A_8, %get3A_11, %dot_general3A_12 {dimension_numbers = #tpu.dot_dimension_numbers<[1], [0], [0], [1], [0, 0, 1, 1], [], []>, transpose_lhs_hint = false} : vector<1280x16xf32>, vector<16x2xf32>, vector<1280x2xf32> -> vector<1280x2xf32>
    %add3A = arith.addf %dot_general3A_5, %dot_general3A_13 : vector<1280x2xf32>
    %get3A_14 = arith.constant 0 : index
    %get3A_15 = arith.constant 0 : index
    %get3A_16 = vector.load %arg5[%get3A_14, %get3A_15] : memref<1x2xf32, #tpu.memory_space<vmem>>, vector<1x2xf32>
    %add3A_17 = vector.broadcast %get3A_16 : vector<1x2xf32> to vector<1280x2xf32>
    %add3A_18 = arith.addf %add3A, %add3A_17 : vector<1280x2xf32>
    %swap3A = arith.constant 0 : index
    %swap3A_19 = arith.constant 0 : index
    %swap3A_20 = vector.load %arg6[%swap3A, %swap3A_19] : memref<1280x2xf32, #tpu.memory_space<vmem>>, vector<1280x2xf32>
    tpu.vector_store %arg6[%swap3A, %swap3A_19], %add3A_18 {strides = array<i32>} : memref<1280x2xf32, #tpu.memory_space<vmem>>, vector<1280x2xf32>,
    return
  }
  func.func @transform_0(%arg0: i32) -> (i32, i32) {
    %c0_i32 = arith.constant 0 : i32
    %c0_i32_0 = arith.constant 0 : i32
    return %arg0, %c0_i32 : i32, i32
  }
  func.func @transform_1(%arg0: i32) -> (i32, i32) {
    %c0_i32 = arith.constant 0 : i32
    %c0_i32_0 = arith.constant 0 : i32
    return %arg0, %c0_i32 : i32, i32
  }
  func.func @transform_2(%arg0: i32) -> (i32, i32) {
    %c0_i32 = arith.constant 0 : i32
    %c0_i32_0 = arith.constant 0 : i32
    %c0_i32_1 = arith.constant 0 : i32
    return %c0_i32, %c0_i32_0 : i32, i32
  }
  func.func @transform_3(%arg0: i32) -> (i32, i32) {
    %c0_i32 = arith.constant 0 : i32
    %c0_i32_0 = arith.constant 0 : i32
    %c0_i32_1 = arith.constant 0 : i32
    return %c0_i32, %c0_i32_0 : i32, i32
  }
  func.func @transform_4(%arg0: i32) -> (i32, i32) {
    %c0_i32 = arith.constant 0 : i32
    %c0_i32_0 = arith.constant 0 : i32
    %c0_i32_1 = arith.constant 0 : i32
    return %c0_i32, %c0_i32_0 : i32, i32
  }
  func.func @transform_5(%arg0: i32) -> (i32, i32) {
    %c0_i32 = arith.constant 0 : i32
    %c0_i32_0 = arith.constant 0 : i32
    return %arg0, %c0_i32 : i32, i32
  }
}

module attributes {stable_mosaic.version = 14 : i64} {
  func.func @_tc_layer_body(%arg0: i32, %arg1: memref<2000x128xf32, #tpu.memory_space<vmem>>, %arg2: memref<2000x128xf32, #tpu.memory_space<vmem>>, %arg3: memref<2000x1xf32, #tpu.memory_space<vmem>>, %arg4: memref<128x128xf32, #tpu.memory_space<vmem>>, %arg5: memref<128x128xf32, #tpu.memory_space<vmem>>, %arg6: memref<1x128xf32, #tpu.memory_space<vmem>>, %arg7: memref<128x4xf32, #tpu.memory_space<vmem>>, %arg8: memref<2000x128xf32, #tpu.memory_space<vmem>>, %arg9: memref<2000x4xf32, #tpu.memory_space<vmem>>) attributes {dimension_semantics = [#tpu.dimension_semantics<arbitrary>], iteration_bounds = array<i64: 5>, scalar_prefetch = 0 : i64, scratch_operands = 0 : i64, tpu.core_type = #tpu.core_type<tc>, window_params = [{transform_indices = @transform_0, window_bounds = array<i64: 2000, 128>}, {transform_indices = @transform_1, window_bounds = array<i64: 2000, 128>}, {transform_indices = @transform_2, window_bounds = array<i64: 2000, 1>}, {pipeline_mode = #tpu.pipeline_mode<synchronous>, transform_indices = @transform_3, window_bounds = array<i64: 128, 128>}, {pipeline_mode = #tpu.pipeline_mode<synchronous>, transform_indices = @transform_4, window_bounds = array<i64: 128, 128>}, {pipeline_mode = #tpu.pipeline_mode<synchronous>, transform_indices = @transform_5, window_bounds = array<i64: 1, 128>}, {pipeline_mode = #tpu.pipeline_mode<synchronous>, transform_indices = @transform_6, window_bounds = array<i64: 128, 4>}, {transform_indices = @transform_7, window_bounds = array<i64: 2000, 128>}, {transform_indices = @transform_8, window_bounds = array<i64: 2000, 4>}]} {
    %get3A = arith.constant 0 : index
    %get3A_0 = arith.constant 0 : index
    %get3A_1 = vector.load %arg3[%get3A, %get3A_0] : memref<2000x1xf32, #tpu.memory_space<vmem>>, vector<2000x1xf32>
    %max3A = arith.constant 1.000000e+00 : f32
    %max3A_2 = vector.broadcast %max3A : f32 to vector<2000x1xf32>
    %max3A_3 = arith.maximumf %get3A_1, %max3A_2 : vector<2000x1xf32>
    %div3A = arith.constant 1.000000e+00 : f32
    %div3A_4 = vector.broadcast %div3A : f32 to vector<2000x1xf32>
    %div3A_5 = arith.divf %div3A_4, %max3A_3 : vector<2000x1xf32>
    %get3A_6 = arith.constant 0 : index
    %get3A_7 = arith.constant 0 : index
    %get3A_8 = vector.load %arg2[%get3A_6, %get3A_7] : memref<2000x128xf32, #tpu.memory_space<vmem>>, vector<2000x128xf32>
    %mul3A = vector.broadcast %div3A_5 : vector<2000x1xf32> to vector<2000x128xf32>
    %mul3A_9 = arith.mulf %get3A_8, %mul3A : vector<2000x128xf32>
    %get3A_10 = arith.constant 0 : index
    %get3A_11 = arith.constant 0 : index
    %get3A_12 = vector.load %arg1[%get3A_10, %get3A_11] : memref<2000x128xf32, #tpu.memory_space<vmem>>, vector<2000x128xf32>
    %get3A_13 = arith.constant 0 : index
    %get3A_14 = arith.constant 0 : index
    %get3A_15 = vector.load %arg4[%get3A_13, %get3A_14] : memref<128x128xf32, #tpu.memory_space<vmem>>, vector<128x128xf32>
    %dot_general3A = arith.constant dense<0.000000e+00> : vector<2000x128xf32>
    %dot_general3A_16 = tpu.matmul %get3A_12, %get3A_15, %dot_general3A {dimension_numbers = #tpu.dot_dimension_numbers<[1], [0], [0], [1], [0, 0, 1, 1], [], []>, transpose_lhs_hint = false} : vector<2000x128xf32>, vector<128x128xf32>, vector<2000x128xf32> -> vector<2000x128xf32>
    %get3A_17 = arith.constant 0 : index
    %get3A_18 = arith.constant 0 : index
    %get3A_19 = vector.load %arg5[%get3A_17, %get3A_18] : memref<128x128xf32, #tpu.memory_space<vmem>>, vector<128x128xf32>
    %dot_general3A_20 = arith.constant dense<0.000000e+00> : vector<2000x128xf32>
    %dot_general3A_21 = tpu.matmul %mul3A_9, %get3A_19, %dot_general3A_20 {dimension_numbers = #tpu.dot_dimension_numbers<[1], [0], [0], [1], [0, 0, 1, 1], [], []>, transpose_lhs_hint = false} : vector<2000x128xf32>, vector<128x128xf32>, vector<2000x128xf32> -> vector<2000x128xf32>
    %add3A = arith.addf %dot_general3A_16, %dot_general3A_21 : vector<2000x128xf32>
    %get3A_22 = arith.constant 0 : index
    %get3A_23 = arith.constant 0 : index
    %get3A_24 = vector.load %arg6[%get3A_22, %get3A_23] : memref<1x128xf32, #tpu.memory_space<vmem>>, vector<1x128xf32>
    %add3A_25 = vector.broadcast %get3A_24 : vector<1x128xf32> to vector<2000x128xf32>
    %add3A_26 = arith.addf %add3A, %add3A_25 : vector<2000x128xf32>
    %gt3A = arith.constant 0.000000e+00 : f32
    %gt3A_27 = vector.broadcast %gt3A : f32 to vector<2000x128xf32>
    %gt3A_28 = arith.cmpf ogt, %add3A_26, %gt3A_27 : vector<2000x128xf32>
    %exp3A = math.exp %add3A_26 : vector<2000x128xf32>
    %sub3A = arith.constant 1.000000e+00 : f32
    %sub3A_29 = vector.broadcast %sub3A : f32 to vector<2000x128xf32>
    %sub3A_30 = arith.subf %exp3A, %sub3A_29 : vector<2000x128xf32>
    %select_n3A = arith.select %gt3A_28, %add3A_26, %sub3A_30 : vector<2000x128xi1>, vector<2000x128xf32>
    %swap3A = arith.constant 0 : index
    %swap3A_31 = arith.constant 0 : index
    %swap3A_32 = vector.load %arg8[%swap3A, %swap3A_31] : memref<2000x128xf32, #tpu.memory_space<vmem>>, vector<2000x128xf32>
    tpu.vector_store %arg8[%swap3A, %swap3A_31], %select_n3A {strides = array<i32>} : memref<2000x128xf32, #tpu.memory_space<vmem>>, vector<2000x128xf32>,
    %get3A_33 = arith.constant 0 : index
    %get3A_34 = arith.constant 0 : index
    %get3A_35 = vector.load %arg7[%get3A_33, %get3A_34] : memref<128x4xf32, #tpu.memory_space<vmem>>, vector<128x4xf32>
    %dot_general3A_36 = arith.constant dense<0.000000e+00> : vector<2000x4xf32>
    %dot_general3A_37 = tpu.matmul %select_n3A, %get3A_35, %dot_general3A_36 {dimension_numbers = #tpu.dot_dimension_numbers<[1], [0], [0], [1], [0, 0, 1, 1], [], []>, transpose_lhs_hint = false} : vector<2000x128xf32>, vector<128x4xf32>, vector<2000x4xf32> -> vector<2000x4xf32>
    %swap3A_38 = arith.constant 0 : index
    %swap3A_39 = arith.constant 0 : index
    %swap3A_40 = vector.load %arg9[%swap3A_38, %swap3A_39] : memref<2000x4xf32, #tpu.memory_space<vmem>>, vector<2000x4xf32>
    tpu.vector_store %arg9[%swap3A_38, %swap3A_39], %dot_general3A_37 {strides = array<i32>} : memref<2000x4xf32, #tpu.memory_space<vmem>>, vector<2000x4xf32>,
    return
  }
  func.func @transform_0(%arg0: i32) -> (i32, i32) {
    %c0_i32 = arith.constant 0 : i32
    %c0_i32_0 = arith.constant 0 : i32
    return %arg0, %c0_i32 : i32, i32
  }
  func.func @transform_1(%arg0: i32) -> (i32, i32) {
    %c0_i32 = arith.constant 0 : i32
    %c0_i32_0 = arith.constant 0 : i32
    return %arg0, %c0_i32 : i32, i32
  }
  func.func @transform_2(%arg0: i32) -> (i32, i32) {
    %c0_i32 = arith.constant 0 : i32
    %c0_i32_0 = arith.constant 0 : i32
    return %arg0, %c0_i32 : i32, i32
  }
  func.func @transform_3(%arg0: i32) -> (i32, i32) {
    %c0_i32 = arith.constant 0 : i32
    %c0_i32_0 = arith.constant 0 : i32
    %c0_i32_1 = arith.constant 0 : i32
    return %c0_i32, %c0_i32_0 : i32, i32
  }
  func.func @transform_4(%arg0: i32) -> (i32, i32) {
    %c0_i32 = arith.constant 0 : i32
    %c0_i32_0 = arith.constant 0 : i32
    %c0_i32_1 = arith.constant 0 : i32
    return %c0_i32, %c0_i32_0 : i32, i32
  }
  func.func @transform_5(%arg0: i32) -> (i32, i32) {
    %c0_i32 = arith.constant 0 : i32
    %c0_i32_0 = arith.constant 0 : i32
    %c0_i32_1 = arith.constant 0 : i32
    return %c0_i32, %c0_i32_0 : i32, i32
  }
  func.func @transform_6(%arg0: i32) -> (i32, i32) {
    %c0_i32 = arith.constant 0 : i32
    %c0_i32_0 = arith.constant 0 : i32
    %c0_i32_1 = arith.constant 0 : i32
    return %c0_i32, %c0_i32_0 : i32, i32
  }
  func.func @transform_7(%arg0: i32) -> (i32, i32) {
    %c0_i32 = arith.constant 0 : i32
    %c0_i32_0 = arith.constant 0 : i32
    return %arg0, %c0_i32 : i32, i32
  }
  func.func @transform_8(%arg0: i32) -> (i32, i32) {
    %c0_i32 = arith.constant 0 : i32
    %c0_i32_0 = arith.constant 0 : i32
    return %arg0, %c0_i32 : i32, i32
  }
}

module attributes {stable_mosaic.version = 14 : i64} {
  func.func @body(%arg0: memref<10000x128xf32, #tpu.memory_space<vmem>>, %arg1: memref<1x10000xi32, #tpu.memory_space<vmem>>, %arg2: memref<64x16xf32, #tpu.memory_space<vmem>>, %arg3: memref<64x8xf32, #tpu.memory_space<vmem>>, %arg4: memref<128x1xf32, #tpu.memory_space<vmem>>, %arg5: memref<16x1xf32, #tpu.memory_space<vmem>>, %arg6: memref<128x1xf32, #tpu.memory_space<vmem>>, %arg7: memref<8x1xf32, #tpu.memory_space<vmem>>, %arg8: memref<128x1xf32, #tpu.memory_space<vmem>>, %arg9: memref<8x1xf32, #tpu.memory_space<vmem>>, %arg10: memref<1x1xf32, #tpu.memory_space<vmem>>, %arg11: memref<1x1xf32, #tpu.memory_space<vmem>>, %arg12: memref<1x1xf32, #tpu.memory_space<vmem>>, %arg13: memref<64x1xf32, #tpu.memory_space<vmem>>, %arg14: memref<64x1xf32, #tpu.memory_space<vmem>>, %arg15: memref<64x1xf32, #tpu.memory_space<vmem>>) attributes {dimension_semantics = [], scalar_prefetch = 0 : i64, scratch_operands = 0 : i64, tpu.core_type = #tpu.core_type<tc>} {
    %get3A = arith.constant 0 : index
    %get3A_0 = arith.constant 0 : index
    %get3A_1 = vector.load %arg1[%get3A, %get3A_0] : memref<1x10000xi32, #tpu.memory_space<vmem>>, vector<1x10000xi32>
    %iota3A = tpu.iota {dimensions = array<i32: 0>} : vector<64x10000xi32>
    %eq3A = vector.broadcast %get3A_1 : vector<1x10000xi32> to vector<64x10000xi32>
    %eq3A_2 = arith.cmpi eq, %iota3A, %eq3A : vector<64x10000xi32>
    %convert_element_type3A = arith.extui %eq3A_2 : vector<64x10000xi1> to vector<64x10000xi32>
    %convert_element_type3A_3 = arith.sitofp %convert_element_type3A : vector<64x10000xi32> to vector<64x10000xf32>
    %get3A_4 = arith.constant 0 : index
    %get3A_5 = arith.constant 0 : index
    %get3A_6 = vector.load %arg0[%get3A_4, %get3A_5] : memref<10000x128xf32, #tpu.memory_space<vmem>>, vector<10000x128xf32>
    %dot_general3A = arith.constant dense<0.000000e+00> : vector<64x128xf32>
    %dot_general3A_7 = tpu.matmul %convert_element_type3A_3, %get3A_6, %dot_general3A {dimension_numbers = #tpu.dot_dimension_numbers<[1], [0], [0], [1], [0, 0, 1, 1], [], []>, transpose_lhs_hint = false} : vector<64x10000xf32>, vector<10000x128xf32>, vector<64x128xf32> -> vector<64x128xf32>
    %reduce_sum3A = arith.constant dense<0.000000e+00> : vector<64xf32>
    %reduce_sum3A_8 = vector.multi_reduction <add>, %convert_element_type3A_3, %reduce_sum3A [1] : vector<64x10000xf32> to vector<64xf32>
    %broadcast_in_dim3A = vector.shape_cast %reduce_sum3A_8 : vector<64xf32> to vector<64x1xf32>
    %max3A = arith.constant 1.000000e+00 : f32
    %max3A_9 = vector.broadcast %max3A : f32 to vector<64x1xf32>
    %max3A_10 = arith.maximumf %broadcast_in_dim3A, %max3A_9 : vector<64x1xf32>
    %div3A = vector.broadcast %max3A_10 : vector<64x1xf32> to vector<64x128xf32>
    %div3A_11 = arith.divf %dot_general3A_7, %div3A : vector<64x128xf32>
    %get3A_12 = arith.constant 0 : index
    %get3A_13 = arith.constant 0 : index
    %get3A_14 = vector.load %arg4[%get3A_12, %get3A_13] : memref<128x1xf32, #tpu.memory_space<vmem>>, vector<128x1xf32>
    %dot_general3A_15 = arith.constant dense<0.000000e+00> : vector<64x1xf32>
    %dot_general3A_16 = tpu.matmul %div3A_11, %get3A_14, %dot_general3A_15 {dimension_numbers = #tpu.dot_dimension_numbers<[1], [0], [0], [1], [0, 0, 1, 1], [], []>, transpose_lhs_hint = false} : vector<64x128xf32>, vector<128x1xf32>, vector<64x1xf32> -> vector<64x1xf32>
    %get3A_17 = arith.constant 0 : index
    %get3A_18 = arith.constant 0 : index
    %get3A_19 = vector.load %arg2[%get3A_17, %get3A_18] : memref<64x16xf32, #tpu.memory_space<vmem>>, vector<64x16xf32>
    %get3A_20 = arith.constant 0 : index
    %get3A_21 = arith.constant 0 : index
    %get3A_22 = vector.load %arg5[%get3A_20, %get3A_21] : memref<16x1xf32, #tpu.memory_space<vmem>>, vector<16x1xf32>
    %dot_general3A_23 = arith.constant dense<0.000000e+00> : vector<64x1xf32>
    %dot_general3A_24 = tpu.matmul %get3A_19, %get3A_22, %dot_general3A_23 {dimension_numbers = #tpu.dot_dimension_numbers<[1], [0], [0], [1], [0, 0, 1, 1], [], []>, transpose_lhs_hint = false} : vector<64x16xf32>, vector<16x1xf32>, vector<64x1xf32> -> vector<64x1xf32>
    %add3A = arith.addf %dot_general3A_16, %dot_general3A_24 : vector<64x1xf32>
    %get3A_25 = arith.constant 0 : index
    %get3A_26 = arith.constant 0 : index
    %get3A_27 = vector.load %arg10[%get3A_25, %get3A_26] : memref<1x1xf32, #tpu.memory_space<vmem>>, vector<1x1xf32>
    %add3A_28 = vector.broadcast %get3A_27 : vector<1x1xf32> to vector<64x1xf32>
    %add3A_29 = arith.addf %add3A, %add3A_28 : vector<64x1xf32>
    %swap3A = arith.constant 0 : index
    %swap3A_30 = arith.constant 0 : index
    %swap3A_31 = vector.load %arg13[%swap3A, %swap3A_30] : memref<64x1xf32, #tpu.memory_space<vmem>>, vector<64x1xf32>
    tpu.vector_store %arg13[%swap3A, %swap3A_30], %add3A_29 {strides = array<i32>} : memref<64x1xf32, #tpu.memory_space<vmem>>, vector<64x1xf32>,
    %get3A_32 = arith.constant 0 : index
    %get3A_33 = arith.constant 0 : index
    %get3A_34 = vector.load %arg6[%get3A_32, %get3A_33] : memref<128x1xf32, #tpu.memory_space<vmem>>, vector<128x1xf32>
    %dot_general3A_35 = arith.constant dense<0.000000e+00> : vector<64x1xf32>
    %dot_general3A_36 = tpu.matmul %div3A_11, %get3A_34, %dot_general3A_35 {dimension_numbers = #tpu.dot_dimension_numbers<[1], [0], [0], [1], [0, 0, 1, 1], [], []>, transpose_lhs_hint = false} : vector<64x128xf32>, vector<128x1xf32>, vector<64x1xf32> -> vector<64x1xf32>
    %get3A_37 = arith.constant 0 : index
    %get3A_38 = arith.constant 0 : index
    %get3A_39 = vector.load %arg3[%get3A_37, %get3A_38] : memref<64x8xf32, #tpu.memory_space<vmem>>, vector<64x8xf32>
    %get3A_40 = arith.constant 0 : index
    %get3A_41 = arith.constant 0 : index
    %get3A_42 = vector.load %arg7[%get3A_40, %get3A_41] : memref<8x1xf32, #tpu.memory_space<vmem>>, vector<8x1xf32>
    %dot_general3A_43 = arith.constant dense<0.000000e+00> : vector<64x1xf32>
    %dot_general3A_44 = tpu.matmul %get3A_39, %get3A_42, %dot_general3A_43 {dimension_numbers = #tpu.dot_dimension_numbers<[1], [0], [0], [1], [0, 0, 1, 1], [], []>, transpose_lhs_hint = false} : vector<64x8xf32>, vector<8x1xf32>, vector<64x1xf32> -> vector<64x1xf32>
    %add3A_45 = arith.addf %dot_general3A_36, %dot_general3A_44 : vector<64x1xf32>
    %get3A_46 = arith.constant 0 : index
    %get3A_47 = arith.constant 0 : index
    %get3A_48 = vector.load %arg11[%get3A_46, %get3A_47] : memref<1x1xf32, #tpu.memory_space<vmem>>, vector<1x1xf32>
    %add3A_49 = vector.broadcast %get3A_48 : vector<1x1xf32> to vector<64x1xf32>
    %add3A_50 = arith.addf %add3A_45, %add3A_49 : vector<64x1xf32>
    %swap3A_51 = arith.constant 0 : index
    %swap3A_52 = arith.constant 0 : index
    %swap3A_53 = vector.load %arg14[%swap3A_51, %swap3A_52] : memref<64x1xf32, #tpu.memory_space<vmem>>, vector<64x1xf32>
    tpu.vector_store %arg14[%swap3A_51, %swap3A_52], %add3A_50 {strides = array<i32>} : memref<64x1xf32, #tpu.memory_space<vmem>>, vector<64x1xf32>,
    %get3A_54 = arith.constant 0 : index
    %get3A_55 = arith.constant 0 : index
    %get3A_56 = vector.load %arg8[%get3A_54, %get3A_55] : memref<128x1xf32, #tpu.memory_space<vmem>>, vector<128x1xf32>
    %dot_general3A_57 = arith.constant dense<0.000000e+00> : vector<64x1xf32>
    %dot_general3A_58 = tpu.matmul %div3A_11, %get3A_56, %dot_general3A_57 {dimension_numbers = #tpu.dot_dimension_numbers<[1], [0], [0], [1], [0, 0, 1, 1], [], []>, transpose_lhs_hint = false} : vector<64x128xf32>, vector<128x1xf32>, vector<64x1xf32> -> vector<64x1xf32>
    %get3A_59 = arith.constant 0 : index
    %get3A_60 = arith.constant 0 : index
    %get3A_61 = vector.load %arg3[%get3A_59, %get3A_60] : memref<64x8xf32, #tpu.memory_space<vmem>>, vector<64x8xf32>
    %get3A_62 = arith.constant 0 : index
    %get3A_63 = arith.constant 0 : index
    %get3A_64 = vector.load %arg9[%get3A_62, %get3A_63] : memref<8x1xf32, #tpu.memory_space<vmem>>, vector<8x1xf32>
    %dot_general3A_65 = arith.constant dense<0.000000e+00> : vector<64x1xf32>
    %dot_general3A_66 = tpu.matmul %get3A_61, %get3A_64, %dot_general3A_65 {dimension_numbers = #tpu.dot_dimension_numbers<[1], [0], [0], [1], [0, 0, 1, 1], [], []>, transpose_lhs_hint = false} : vector<64x8xf32>, vector<8x1xf32>, vector<64x1xf32> -> vector<64x1xf32>
    %add3A_67 = arith.addf %dot_general3A_58, %dot_general3A_66 : vector<64x1xf32>
    %get3A_68 = arith.constant 0 : index
    %get3A_69 = arith.constant 0 : index
    %get3A_70 = vector.load %arg12[%get3A_68, %get3A_69] : memref<1x1xf32, #tpu.memory_space<vmem>>, vector<1x1xf32>
    %add3A_71 = vector.broadcast %get3A_70 : vector<1x1xf32> to vector<64x1xf32>
    %add3A_72 = arith.addf %add3A_67, %add3A_71 : vector<64x1xf32>
    %swap3A_73 = arith.constant 0 : index
    %swap3A_74 = arith.constant 0 : index
    %swap3A_75 = vector.load %arg15[%swap3A_73, %swap3A_74] : memref<64x1xf32, #tpu.memory_space<vmem>>, vector<64x1xf32>
    tpu.vector_store %arg15[%swap3A_73, %swap3A_74], %add3A_72 {strides = array<i32>} : memref<64x1xf32, #tpu.memory_space<vmem>>, vector<64x1xf32>,
    return
  }
}

</mosaic_0001>

<sc_bundles>
// kernel: closed_call.12.cloned.1.call-start
scs
__scs_entry_jumppad:
0x0: {  	(pc) =	sbr.rel $0x88, $3  }
0x1: {  	(tag) =	ssettag $0x0;
	lr =	simm.s32 $0x1  }
0x2: {  	[smem:$0x3F89] =	sst lr;
	_ =	strace $0xD0000000  }
0x3: {  	_ = 	snop  }
0x4: {  	_ = 	snop  }
0x5: {  	_ = 	snop  }
0x6: {  	_ = 	snop  }
0x7: {  	_ = 	snop  }
__scs_overlays_trampoline_lowered:
0x8: {  	[smem:$0x3F98] =	sst s0  }
0x9: {  	[smem:$0x3F99] =	sst s1  }
0xa: {  	[smem:$0x3F9A] =	sst s2  }
0xb: {  	[smem:$0x3F9B] =	sst s3  }
0xc: {  	[smem:$0x3F9C] =	sst s4  }
0xd: {  	[smem:$0x3F9D] =	sst s5  }
0xe: {  	[smem:$0x3F9E] =	sst s6  }
0xf: {  	[smem:$0x3F9F] =	sst s7  }
0x10: {  	[smem:$0x3FA0] =	sst s8  }
0x11: {  	[smem:$0x3FA1] =	sst s9;
	s0 =	simm.s32 @!p0 $0x0  }
0x12: {  	s1 =	sld [smem:$0x3F87];
	s0 =	simm.s32 @p0 $0x1  }
0x13: {  	[smem:$0x3FA2] =	sst s0;
	s0 =	simm.s32 @!p1 $0x0  }
0x14: {  	s2 =	sld [smem:$0x3F86];
	s0 =	simm.s32 @p1 $0x1  }
0x15: {  	[smem:$0x3FA3] =	sst s0;
	s0 =	simm.s32 @!p2 $0x0  }
0x16: {  	s3 =	sld [smem:$0x3FDB];
	s0 =	simm.s32 @p2 $0x1  }
0x17: {  	s4 =	simm.s32 $0x1BF5;
	[smem:$0x3FA5] =	sst s0  }
0x18: {  	s0 =	sld [smem:$0x3F88];
	_ =	swait.ge [sflag:s4], $0x0  }
0x19: {  	s7 =	sld [smem:$0x3F89]  }
0x1a: {  	s8 =	sadd.s32 $0xFFFFE003, lr  }
0x1b: {  	s9 =	sadd.s32 $0xFFFFFEF7, lr;
	s5 =	simm.s32 $0xFFFFFFFF;
	p2 =	slt.u32 s8, $0xFFFFF086  }
0x1c: {  	p1 =	slt.u32 s9, $0xF7A;
	s5 =	simm.s32 @!p2 $0x0  }
0x1d: {  	s5 =	simm.s32 @p1 $0x1;
	p0 =	seq.s32 s7, s2  }
0x1e: {  	s7 =	smul.u32 @!p0 $0xF7A, s2;
	p2 =	seq.s32 @!p0 s5, $0x0  }
0x1f: {  	s9 =	smul.u32 $0xF7A, s1;
	s8 =	simm.s32 @!p0 $0x1BF5;
	p2 =	por !p2, p0  }
0x20: {  	[sflag:s8] =	ssyncset.s32 @!p0 $0xFFFFF086;
	s6 =	sadd.s32 @!p0 s3, s7;
	s7 =	simm.s32 @!p0 $0x108  }
0x21: {  	s3 =	sadd.s32 s3, s9;
	s6 =	sadd.s32 @!p0 $0x88, s6;
	s7 =	simm.s32 @p2 $0x1082  }
0x22: {  	[simem:s7], [sflag:s8] =	dma.local @!p0 [hbm:s6], $0xF7A  }
0x23: {  	s9 =	sor.u32 $0xD0000000, s2;
	s6 =	simm.s32 $0x108;
	_ =	swait.ge @!p0 [sflag:s8], $0x0  }
0x24: {  	s3 =	sadd.s32 $0x88, s3;
	s6 =	simm.s32 @!p1 $0x1082;
	[sflag:s4] =	ssyncset.s32 $0xFFFFF086  }
0x25: {  	[simem:s6], [sflag:s4] =	dma.local [hbm:s3], $0xF7A  }
0x26: {  	[smem:$0x3F89] =	sst s1;
	(tag) =	ssettag s2;
	_ =	strace s9  }
0x27: {  	s1 =	sld [smem:$0x3F99]  }
0x28: {  	s2 =	sld [smem:$0x3F9A]  }
0x29: {  	s4 =	sld [smem:$0x3F9C]  }
0x2a: {  	p0 =	seq.s32 s5, $0x0;
	s5 =	sld [smem:$0x3F9D]  }
0x2b: {  	s6 =	sld [smem:$0x3F9E]  }
0x2c: {  	s7 =	sld [smem:$0x3F9F]  }
0x2d: {  	s3 =	simm.s32 $0x108;
	s8 =	sld [smem:$0x3FA0]  }
0x2e: {  	s3 =	simm.s32 @!p0 $0x1082;
	s9 =	sld [smem:$0x3FA1]  }
0x2f: {  	lr =	sadd.s32 s0, s3;
	s0 =	sld [smem:$0x3F98]  }
0x30: {  	s3 =	sld [smem:$0x3F9B]  }
0x31: {  	[smem:$0x3FA4] =	sst s10  }
0x32: {  	s10 =	sld [smem:$0x3FA2];
	_ =	sdelay $0x3  }
0x33: {  	p0 =	seq.s32 s10, $0x1;
	s10 =	sld [smem:$0x3FA4];
	_ =	sdelay $0x3  }
0x34: {  	[smem:$0x3FA4] =	sst s10  }
0x35: {  	s10 =	sld [smem:$0x3FA3];
	_ =	sdelay $0x3  }
0x36: {  	p1 =	seq.s32 s10, $0x1;
	s10 =	sld [smem:$0x3FA4];
	_ =	sdelay $0x3  }
0x37: {  	[smem:$0x3FA4] =	sst s10  }
0x38: {  	s10 =	sld [smem:$0x3FA5]  }
0x39: {  	_ = 	snop;
	(pc) =	sbr.ind lr, $3  }
0x3a: {  	_ = 	snop  }
0x3b: {  	_ = 	snop  }
0x3c: {  	p2 =	seq.s32 s10, $0x1;
	s10 =	sld [smem:$0x3FA4]  }
0x3d: {  	_ =	shalt  }
0x3e: {  	_ =	shalt  }
0x3f: {  	_ =	shalt  }
0x40: {  	_ =	shalt  }
0x41: {  	_ =	shalt  }
0x42: {  	_ =	shalt  }
0x43: {  	_ =	shalt  }
0x44: {  	_ =	shalt  }
0x45: {  	_ =	shalt  }
0x46: {  	_ =	shalt  }
0x47: {  	_ =	shalt  }
0x48: {  	_ =	shalt  }
0x49: {  	_ =	shalt  }
0x4a: {  	_ =	shalt  }
0x4b: {  	_ =	shalt  }
0x4c: {  	_ =	shalt  }
0x4d: {  	_ =	shalt  }
0x4e: {  	_ =	shalt  }
0x4f: {  	_ =	shalt  }
0x50: {  	_ =	shalt  }
0x51: {  	_ =	shalt  }
0x52: {  	_ =	shalt  }
0x53: {  	_ =	shalt  }
0x54: {  	_ =	shalt  }
0x55: {  	_ =	shalt  }
0x56: {  	_ =	shalt  }
0x57: {  	_ =	shalt  }
0x58: {  	_ =	shalt  }
0x59: {  	_ =	shalt  }
0x5a: {  	_ =	shalt  }
0x5b: {  	_ =	shalt  }
0x5c: {  	_ =	shalt  }
0x5d: {  	_ =	shalt  }
0x5e: {  	_ =	shalt  }
0x5f: {  	_ =	shalt  }
0x60: {  	_ =	shalt  }
0x61: {  	_ =	shalt  }
0x62: {  	_ =	shalt  }
0x63: {  	_ =	shalt  }
0x64: {  	_ =	shalt  }
0x65: {  	_ =	shalt  }
0x66: {  	_ =	shalt  }
0x67: {  	_ =	shalt  }
0x68: {  	_ =	shalt  }
0x69: {  	_ =	shalt  }
0x6a: {  	_ =	shalt  }
0x6b: {  	_ =	shalt  }
0x6c: {  	_ =	shalt  }
0x6d: {  	_ =	shalt  }
0x6e: {  	_ =	shalt  }
0x6f: {  	_ =	shalt  }
0x70: {  	_ =	shalt  }
0x71: {  	_ =	shalt  }
0x72: {  	_ =	shalt  }
0x73: {  	_ =	shalt  }
0x74: {  	_ =	shalt  }
0x75: {  	_ =	shalt  }
0x76: {  	_ =	shalt  }
0x77: {  	_ =	shalt  }
0x78: {  	_ =	shalt  }
0x79: {  	_ =	shalt  }
0x7a: {  	_ =	shalt  }
0x7b: {  	_ =	shalt  }
0x7c: {  	_ =	shalt  }
0x7d: {  	_ =	shalt  }
0x7e: {  	_ =	shalt  }
0x7f: {  	_ =	shalt  }
0x80: {  	_ =	shalt  }
0x81: {  	_ =	shalt  }
0x82: {  	_ =	shalt  }
0x83: {  	_ =	shalt  }
0x84: {  	_ =	shalt  }
0x85: {  	_ =	shalt  }
0x86: {  	_ =	shalt  }
0x87: {  	_ =	shalt  }
.Lfunc_end0:
.L_simem_size_0:
called_computation_lowered:
.L_overlay_start_0:
0x88: {  	s0 =	sld [smem:$0x3FD9]  }
0x89: {  	s1 =	sld [smem:$0x3FFE];
	_ =	sdelay $0x3  }
0x8a: {  	s0 =	sadd.s32 s1, s0  }
0x8b: {  	[smem:$0x3FB0] =	sst s0  }
0x8c: {  	_ = 	snop  }
0x8d: {  	(tm) =	ssettm $0x1  }
0x8e: {  	s15 =	sld [smem:$0x3FFB];
	_ =	sdelay $0x3  }
0x8f: {  	_ =	strace s15  }
0x90: {  	s0 =	sld [smem:$0x3FFC];
	_ =	sdelay $0x3  }
0x91: {  	_ =	strace s0  }
0x92: {  	s0 =	sld [smem:$0x3FFD];
	_ =	sdelay $0x3  }
0x93: {  	_ =	strace s0  }
0x94: {  	_ =	strace $0x8FFFFFFF  }
0x95: {  	s16 =	sld [smem:$0x3FDB];
	_ =	sdelay $0x1  }
0x96: {  	s17 =	simm.s32 $_scs_section_size  }
0x97: {  	s2 =	simm.s32 $_size__tile_overlayer_lowered;
	s3 =	simm.s32 $_tile_overlayer_lowered  }
0x98: {  	s20 =	simm.s32 $0x1BFF;
	s19 =	sshll.u32 s3, $0x1;
	s0 =	sadd.s32 s17, s16  }
0x99: {  	s4 =	simm.s32 $0x0;
	s18 =	sshll.u32 s2, $0x1;
	s2 =	sadd.s32 s19, s0  }
0x9a: {  	[timem:s4], [sflag:s20] =	dma.local [hbm:s2], s18  }
0x9b: {  	_ =	swait.ge [sflag:s20], s18  }
0x9c: {  	s1 =	ssub.s32 $0x0, s18;
	[sflag:s20] =	ssyncset.done $0x0  }
0x9d: {  	[sflag:s20] =	ssyncadd.s32 s1;
	_ =	sdelay $0x1  }
0x9e: {  	s21 =	simm.s32 $0x1B8B  }
0x9f: {  	_ =	swait.ge [sflag:s21], $0x1  }
0xa0: {  	[sflag:s21] =	ssyncset.done $0x0  }
0xa1: {  	s23 =	simm.s32 $0x1B8E;
	s22 =	sld [smem:$0x3FFE];
	[sflag:s21] =	ssyncadd.s32 $0xFFFFFFFF  }
0xa2: {  	s24 =	simm.s32 $execute0_lowered;
	[smem:$0x3FD2] =	sst s23  }
0xa3: {  	s2 =	sshll.u32 s24, $0x1;
	_ =	strace $0x8000004C;
	[dreg:$0x1] =	wrdreg $0xFFFFFFFF  }
0xa4: {  	s25 =	simm.s32 $_size_execute0_lowered;
	s0 =	sadd.s32 s0, s2;
	[dreg:$0x0] =	wrdreg $0x0  }
0xa5: {  	s2 =	sshll.u32 s25, $0x1;
	[dreg:$0x2] =	wrdreg s0  }
0xa6: {  	[dreg:$0x3] =	wrdreg s2  }
0xa7: {  	[dreg:$0x4] =	wrdreg $0xC0  }
0xa8: {  	_ =	task [dreg:s4], $0x5FFFF  }
0xa9: {  	[dreg:$0x1] =	wrdreg $0xFFFFFFFF  }
0xaa: {  	[dreg:$0x0] =	wrdreg $0x60  }
0xab: {  	[dreg:$0x2] =	wrdreg s22  }
0xac: {  	[dreg:$0x3] =	wrdreg $0x18C000  }
0xad: {  	[dreg:$0x4] =	wrdreg $0x9  }
0xae: {  	_ =	task.clear_ibuf [dreg:s4], $0x5FFFF;
	_ =	strace $0x9000004C  }
0xaf: {  	s26 =	simm.s32 $0x9;
	_ =	strace $0x8000004E  }
0xb0: {  	_ =	swait.ge [sflag:s26], $0x1  }
0xb1: {  	[sflag:s26] =	ssyncadd.s32 $0xFFFFFFFF  }
0xb2: {  	_ =	strace $0x9000004E  }
0xb3: {  	_ =	sfence  }
0xb4: {  	s28 =	sld [smem:$0x0];
	_ =	sdelay $0x1  }
0xb5: {  	s29 =	srdreg.scid  }
0xb6: {  	s30 =	sshll.u32 s29, $0xD;
	s31 =	sshrl.u32 s29, $0x2  }
0xb7: {  	s1 =	sand.u32 $0x1, s29;
	s2 =	sand.u32 $0x4000, s30;
	s0 =	sadd.s32 s31, s28  }
0xb8: {  	s1 =	sor.u32 s2, s1;
	s0 =	sshll.u32 s0, $0x11  }
0xb9: {  	s0 =	sor.u32 s0, s1  }
0xba: {  	s0 =	sadd.s32 $0x8F2B, s0  }
0xbb: {  	[sflag:s0] =	ssyncadd.remote.s32 $0x1  }
0xbc: {  	_ =	sfence.sel $0xFFFF  }
0xbd: {  	[dreg:$0x0] =	wrdreg $0xFFFFFFFF;
	(pc) =	sbr.abs _section_cstart, $3  }
0xbe: {  	[dreg:$0x1] =	wrdreg $0xFFFFFFFF  }
0xbf: {  	_ =	task.clear_ibuf [dreg:s4], $0x2FFFF;
	_ =	strace $0x9FFFFFFF  }
0xc0: {  	(tm) =	ssettm $0x7FFFFFFF  }
0xc1: {  	_ =	shalt  }
tec
execute0_lowered:
.L_overlay_start_1:
0x0: {  	(tag) =	ssettag $0x1  }
0x1: {  	s9 =	rddreg [dreg:$0x0]  }
0x2: {  	s3 =	rddreg [dreg:$0x1]  }
0x3: {  	s0 =	rddreg [dreg:$0x2];
	s12 =	simm.s32 $0x0;
	s1 =	stileid.u32  }
0x4: {  	s5 =	simm.s32 $0x12000;
	s10 =	simm.s32 $0x5;
	[smem:$0x7FF] =	sst s12  }
0x5: {  	s2 =	sadd.s32 $0x17E00, s9;
	s4 =	smul.u32 $0x5000, s1;
	_ =	strace $0x8000004D  }
0x6: {  	[tilespmem:s5], [sflag:$0x5] =	stream.linear.gather [hbm4b:s2+s12], $0x6C00, $0x38;
	[tilespmem:$0x1F800] =	vst v63  }
0x7: {  	_ =	swait.ge [sflag:s10], $0x6C00  }
0x8: {  	s6 =	sadd.s32 $0x97E00, s9;
	s8 =	sshrl.u32 s4, $0x3;
	[sflag:s10] =	ssyncset.done $0x0  }
0x9: {  	s4 =	sadd.s32 s6, s8;
	[sflag:s10] =	ssyncadd.s32 $0xFFFF9400  }
0xa: {  	[tilespmem:s12], [sflag:$0x5] =	stream.linear.gather [hbm4b:s4+s12], $0x5000, $0x38;
	[tilespmem:$0x1F800] =	vst v63  }
0xb: {  	_ =	swait.ge [sflag:s10], $0x5000  }
0xc: {  	s14 =	simm.s32 $0x5000;
	s7 =	sadd.s32 $0xB5E00, s9;
	[sflag:s10] =	ssyncset.done $0x0  }
0xd: {  	s11 =	smul.u32 $0x1B000, s1;
	s28 =	sadd.s32 s7, s8;
	[sflag:s10] =	ssyncadd.s32 $0xFFFFB000  }
0xe: {  	[tilespmem:s14], [sflag:$0x5] =	stream.linear.gather [hbm4b:s28+s12], $0x5000, $0x38;
	[tilespmem:$0x1F800] =	vst v63  }
0xf: {  	_ =	swait.ge [sflag:s10], $0x5000  }
0x10: {  	s29 =	sshrl.u32 s11, $0x2;
	[sflag:s10] =	ssyncset.done $0x0  }
0x11: {  	s4 =	sadd.s32 s29, s3;
	[sflag:s10] =	ssyncadd.s32 $0xFFFFB000  }
0x12: {  	[spmem:s4] =	stream.linear.scatter [tilespmem:s5], [sflag:$0x5], $0x6C00, $0x38;
	[tilespmem:$0x1F800] =	vst v63  }
0x13: {  	_ =	swait.ge [sflag:s10], $0x6C00  }
0x14: {  	[sflag:s10] =	ssyncset.done $0x0  }
0x15: {  	s11 =	simm.s32 $0xA000;
	[sflag:s10] =	ssyncadd.s32 $0xFFFF9400  }
0x16: {  	s5 =	sadd.s32 $0xD3E00, s9;
	s10 =	simm.s32 $0x7D;
	[bflag:$0x0] =	sbarrier.arrive $0xFFFF  }
0x17: {  	[tilespmem:s11], [sflag:$0x1] =	stream.indirect.gather [hbm4b:s5+s10], $0x80, s12, s10, $0xb8;
	[tilespmem:$0x1F800] =	vst v63  }
0x18: {  	s13 =	simm.s32 $0x80;
	s12 =	simm.s32 $0xE000  }
0x19: {  	[tilespmem:s12], [sflag:$0x2] =	stream.indirect.gather [hbm4b:s5+s10], $0x80, s13, s10, $0xb8;
	[tilespmem:$0x1F800] =	vst v63  }
0x1a: {  	s13 =	simm.s32 $0x1  }
0x1b: {  	_ =	swait.ge [sflag:s13], $0x3E80  }
0x1c: {  	[sflag:s13] =	ssyncset.done $0x0  }
0x1d: {  	[sflag:s13] =	ssyncadd.s32 $0xFFFFC180  }
0x1e: {  	[spmem:s3] =	stream.indirect.scatter.add.f32 [tilespmem:s11], [sflag:$0x3], $0x80, s14, s10, $0xb8;
	[tilespmem:$0x1F800] =	vst v63  }
0x1f: {  	s14 =	simm.s32 $0x3  }
0x20: {  	_ =	swait.ge [sflag:s14], $0x3E80  }
0x21: {  	[sflag:s14] =	ssyncset.done $0x0  }
0x22: {  	s15 =	simm.s32 $0x100;
	[sflag:s14] =	ssyncadd.s32 $0xFFFFC180  }
0x23: {  	[tilespmem:s11], [sflag:$0x1] =	stream.indirect.gather [hbm4b:s5+s10], $0x80, s15, s10, $0xb8;
	[tilespmem:$0x1F800] =	vst v63  }
0x24: {  	s15 =	simm.s32 $0x2  }
0x25: {  	_ =	swait.ge [sflag:s15], $0x3E80  }
0x26: {  	[sflag:s15] =	ssyncset.done $0x0  }
0x27: {  	s16 =	simm.s32 $0x5080;
	[sflag:s15] =	ssyncadd.s32 $0xFFFFC180  }
0x28: {  	[spmem:s3] =	stream.indirect.scatter.add.f32 [tilespmem:s12], [sflag:$0x4], $0x80, s16, s10, $0xb8;
	[tilespmem:$0x1F800] =	vst v63  }
0x29: {  	s16 =	simm.s32 $0x4  }
0x2a: {  	_ =	swait.ge [sflag:s16], $0x3E80  }
0x2b: {  	[sflag:s16] =	ssyncset.done $0x0  }
0x2c: {  	s17 =	simm.s32 $0x180;
	[sflag:s16] =	ssyncadd.s32 $0xFFFFC180  }
0x2d: {  	[tilespmem:s12], [sflag:$0x2] =	stream.indirect.gather [hbm4b:s5+s10], $0x80, s17, s10, $0xb8;
	[tilespmem:$0x1F800] =	vst v63  }
0x2e: {  	_ =	swait.ge [sflag:s13], $0x3E80  }
0x2f: {  	[sflag:s13] =	ssyncset.done $0x0  }
0x30: {  	s30 =	simm.s32 $0x5100;
	[sflag:s13] =	ssyncadd.s32 $0xFFFFC180  }
0x31: {  	[spmem:s3] =	stream.indirect.scatter.add.f32 [tilespmem:s11], [sflag:$0x3], $0x80, s30, s10, $0xb8;
	[tilespmem:$0x1F800] =	vst v63  }
0x32: {  	_ =	swait.ge [sflag:s14], $0x3E80  }
0x33: {  	[sflag:s14] =	ssyncset.done $0x0  }
0x34: {  	s31 =	simm.s32 $0x200;
	[sflag:s14] =	ssyncadd.s32 $0xFFFFC180  }
0x35: {  	[tilespmem:s11], [sflag:$0x1] =	stream.indirect.gather [hbm4b:s5+s10], $0x80, s31, s10, $0xb8;
	[tilespmem:$0x1F800] =	vst v63  }
0x36: {  	_ =	swait.ge [sflag:s15], $0x3E80  }
0x37: {  	s18 =	simm.s32 $0x5180;
	[sflag:s15] =	ssyncset.done $0x0  }
0x38: {  	s9 =	sadd.s32 $0xFB800, s9;
	s17 =	simm.s32 $0xFFFECC00;
	[sflag:s15] =	ssyncadd.s32 $0xFFFFC180  }
.LBB2_1:
0x39: {  	[spmem:s3] =	stream.indirect.scatter.add.f32 [tilespmem:s12], [sflag:$0x4], $0x80, s18, s10, $0xb8;
	[tilespmem:$0x1F800] =	vst v63  }
0x3a: {  	s18 =	smov.u32 s17  }
0x3b: {  	p0 =	sne.s32 s17, $0xFFFFFC00;
	s17 =	sadd.s32 $0x400, s17;
	_ =	swait.ge [sflag:s16], $0x3E80  }
0x3c: {  	s18 =	sshra.s32 s18, $0x2;
	[sflag:s16] =	ssyncset.done $0x0  }
0x3d: {  	s19 =	sadd.s32 $0x4F80, s18;
	[sflag:s16] =	ssyncadd.s32 $0xFFFFC180  }
0x3e: {  	[tilespmem:s12], [sflag:$0x2] =	stream.indirect.gather [hbm4b:s5+s10], $0x80, s19, s10, $0xb8;
	[tilespmem:$0x1F800] =	vst v63  }
0x3f: {  	_ =	swait.ge [sflag:s13], $0x3E80  }
0x40: {  	[sflag:s13] =	ssyncset.done $0x0  }
0x41: {  	s19 =	sadd.s32 $0x9F00, s18;
	[sflag:s13] =	ssyncadd.s32 $0xFFFFC180  }
0x42: {  	[spmem:s3] =	stream.indirect.scatter.add.f32 [tilespmem:s11], [sflag:$0x3], $0x80, s19, s10, $0xb8;
	[tilespmem:$0x1F800] =	vst v63  }
0x43: {  	_ =	swait.ge [sflag:s14], $0x3E80  }
0x44: {  	[sflag:s14] =	ssyncset.done $0x0  }
.Ltmp0:
0x45: {  	s19 =	sadd.s32 $0x5000, s18;
	[sflag:s14] =	ssyncadd.s32 $0xFFFFC180;
	(pc) =	sbr.rel @p0 .LBB2_1-.Ltmp0, $4  }
0x46: {  	[tilespmem:s11], [sflag:$0x1] =	stream.indirect.gather [hbm4b:s5+s10], $0x80, s19, s10, $0xb8;
	[tilespmem:$0x1F800] =	vst v63  }
0x47: {  	_ =	swait.ge [sflag:s15], $0x3E80  }
0x48: {  	[sflag:s15] =	ssyncset.done $0x0  }
0x49: {  	s18 =	sadd.s32 $0x9F80, s18;
	[sflag:s15] =	ssyncadd.s32 $0xFFFFC180  }
0x4a: {  	[spmem:s3] =	stream.indirect.scatter.add.f32 [tilespmem:s12], [sflag:$0x4], $0x80, s18, s10, $0xb8;
	[tilespmem:$0x1F800] =	vst v63  }
0x4b: {  	s10 =	simm.s32 $0x4  }
0x4c: {  	_ =	swait.ge [sflag:s10], $0x3E80  }
0x4d: {  	s11 =	simm.s32 $0x7D;
	[sflag:s10] =	ssyncset.done $0x0  }
0x4e: {  	s13 =	simm.s32 $0x4F80;
	s12 =	simm.s32 $0xE000;
	[sflag:s10] =	ssyncadd.s32 $0xFFFFC180  }
0x4f: {  	[tilespmem:s12], [sflag:$0x2] =	stream.indirect.gather [hbm4b:s5+s11], $0x80, s13, s11, $0xb8;
	[tilespmem:$0x1F800] =	vst v63  }
0x50: {  	s13 =	simm.s32 $0x1  }
0x51: {  	_ =	swait.ge [sflag:s13], $0x3E80  }
0x52: {  	[sflag:s13] =	ssyncset.done $0x0  }
0x53: {  	s15 =	simm.s32 $0x9F00;
	s14 =	simm.s32 $0xA000;
	[sflag:s13] =	ssyncadd.s32 $0xFFFFC180  }
0x54: {  	[spmem:s3] =	stream.indirect.scatter.add.f32 [tilespmem:s14], [sflag:$0x3], $0x80, s15, s11, $0xb8;
	[tilespmem:$0x1F800] =	vst v63  }
0x55: {  	s15 =	simm.s32 $0x3  }
0x56: {  	_ =	swait.ge [sflag:s15], $0x3E80  }
0x57: {  	[sflag:s15] =	ssyncset.done $0x0  }
0x58: {  	s16 =	simm.s32 $0x2;
	[sflag:s15] =	ssyncadd.s32 $0xFFFFC180  }
0x59: {  	_ =	swait.ge [sflag:s16], $0x3E80  }
0x5a: {  	[sflag:s16] =	ssyncset.done $0x0  }
0x5b: {  	s17 =	simm.s32 $0x9F80;
	[sflag:s16] =	ssyncadd.s32 $0xFFFFC180  }
0x5c: {  	[spmem:s3] =	stream.indirect.scatter.add.f32 [tilespmem:s12], [sflag:$0x4], $0x80, s17, s11, $0xb8;
	[tilespmem:$0x1F800] =	vst v63  }
0x5d: {  	_ =	swait.ge [sflag:s10], $0x3E80  }
0x5e: {  	[sflag:s10] =	ssyncset.done $0x0  }
0x5f: {  	[sflag:s10] =	ssyncadd.s32 $0xFFFFC180  }
0x60: {  	s18 =	simm.s32 $0x12000;
	s22 =	simm.s32 $0x5;
	[bflag:$0x0] =	sbarrier.arrive $0xFFFF  }
0x61: {  	[tilespmem:s18], [sflag:$0x5] =	stream.linear.gather [spmem:s4], $0x6C00, $0x38;
	[tilespmem:$0x1F800] =	vst v63  }
0x62: {  	s19 =	smul.u32 $0xD80, s1;
	_ =	swait.ge [sflag:s22], $0x6C00  }
0x63: {  	[sflag:s22] =	ssyncset.done $0x0  }
0x64: {  	s20 =	simm.s32 $0x0;
	s19 =	sadd.s32 s9, s19;
	[sflag:s22] =	ssyncadd.s32 $0xFFFF9400  }
0x65: {  	[hbm4b:s19+s20] =	stream.linear.scatter [tilespmem:s18], [sflag:$0x5], $0x6C00, $0x38;
	[tilespmem:$0x1F800] =	vst v63  }
0x66: {  	_ =	swait.ge [sflag:s22], $0x6C00  }
0x67: {  	[sflag:s22] =	ssyncset.done $0x0  }
0x68: {  	[sflag:s22] =	ssyncadd.s32 $0xFFFF9400  }
0x69: {  	[bflag:$0x0] =	sbarrier.arrive $0xFFFF  }
0x6a: {  	[tilespmem:s18], [sflag:$0x5] =	stream.linear.gather [hbm4b:s2+s20], $0x6C00, $0x38;
	[tilespmem:$0x1F800] =	vst v63  }
0x6b: {  	_ =	swait.ge [sflag:s22], $0x6C00  }
0x6c: {  	s23 =	sadd.s32 $0xA000, s8;
	[sflag:s22] =	ssyncset.done $0x0  }
0x6d: {  	s21 =	sadd.s32 s6, s23;
	[sflag:s22] =	ssyncadd.s32 $0xFFFF9400  }
0x6e: {  	[tilespmem:s20], [sflag:$0x5] =	stream.linear.gather [hbm4b:s21+s20], $0x5000, $0x38;
	[tilespmem:$0x1F800] =	vst v63  }
0x6f: {  	_ =	swait.ge [sflag:s22], $0x5000  }
0x70: {  	[sflag:s22] =	ssyncset.done $0x0  }
0x71: {  	s24 =	simm.s32 $0x5000;
	s19 =	sadd.s32 s7, s23;
	[sflag:s22] =	ssyncadd.s32 $0xFFFFB000  }
0x72: {  	[tilespmem:s24], [sflag:$0x5] =	stream.linear.gather [hbm4b:s19+s20], $0x5000, $0x38;
	[tilespmem:$0x1F800] =	vst v63  }
0x73: {  	_ =	swait.ge [sflag:s22], $0x5000  }
0x74: {  	[sflag:s22] =	ssyncset.done $0x0  }
0x75: {  	[sflag:s22] =	ssyncadd.s32 $0xFFFFB000  }
0x76: {  	[spmem:s4] =	stream.linear.scatter [tilespmem:s18], [sflag:$0x5], $0x6C00, $0x38;
	[tilespmem:$0x1F800] =	vst v63  }
0x77: {  	_ =	swait.ge [sflag:s22], $0x6C00  }
0x78: {  	[sflag:s22] =	ssyncset.done $0x0  }
0x79: {  	[sflag:s22] =	ssyncadd.s32 $0xFFFF9400  }
0x7a: {  	[bflag:$0x0] =	sbarrier.arrive $0xFFFF  }
0x7b: {  	[tilespmem:s14], [sflag:$0x1] =	stream.indirect.gather [hbm4b:s5+s11], $0x80, s20, s11, $0xb8;
	[tilespmem:$0x1F800] =	vst v63  }
0x7c: {  	s25 =	simm.s32 $0x80  }
0x7d: {  	[tilespmem:s12], [sflag:$0x2] =	stream.indirect.gather [hbm4b:s5+s11], $0x80, s25, s11, $0xb8;
	[tilespmem:$0x1F800] =	vst v63  }
0x7e: {  	_ =	swait.ge [sflag:s13], $0x3E80  }
0x7f: {  	[sflag:s13] =	ssyncset.done $0x0  }
0x80: {  	[sflag:s13] =	ssyncadd.s32 $0xFFFFC180  }
0x81: {  	[spmem:s3] =	stream.indirect.scatter.add.f32 [tilespmem:s14], [sflag:$0x3], $0x80, s24, s11, $0xb8;
	[tilespmem:$0x1F800] =	vst v63  }
0x82: {  	_ =	swait.ge [sflag:s15], $0x3E80  }
0x83: {  	[sflag:s15] =	ssyncset.done $0x0  }
0x84: {  	s26 =	simm.s32 $0x100;
	[sflag:s15] =	ssyncadd.s32 $0xFFFFC180  }
0x85: {  	[tilespmem:s14], [sflag:$0x1] =	stream.indirect.gather [hbm4b:s5+s11], $0x80, s26, s11, $0xb8;
	[tilespmem:$0x1F800] =	vst v63  }
0x86: {  	_ =	swait.ge [sflag:s16], $0x3E80  }
0x87: {  	[sflag:s16] =	ssyncset.done $0x0  }
0x88: {  	s28 =	simm.s32 $0x5080;
	[sflag:s16] =	ssyncadd.s32 $0xFFFFC180  }
0x89: {  	[spmem:s3] =	stream.indirect.scatter.add.f32 [tilespmem:s12], [sflag:$0x4], $0x80, s28, s11, $0xb8;
	[tilespmem:$0x1F800] =	vst v63  }
0x8a: {  	_ =	swait.ge [sflag:s10], $0x3E80  }
0x8b: {  	[sflag:s10] =	ssyncset.done $0x0  }
0x8c: {  	s29 =	simm.s32 $0x180;
	[sflag:s10] =	ssyncadd.s32 $0xFFFFC180  }
0x8d: {  	[tilespmem:s12], [sflag:$0x2] =	stream.indirect.gather [hbm4b:s5+s11], $0x80, s29, s11, $0xb8;
	[tilespmem:$0x1F800] =	vst v63  }
0x8e: {  	_ =	swait.ge [sflag:s13], $0x3E80  }
0x8f: {  	[sflag:s13] =	ssyncset.done $0x0  }
0x90: {  	s30 =	simm.s32 $0x5100;
	[sflag:s13] =	ssyncadd.s32 $0xFFFFC180  }
0x91: {  	[spmem:s3] =	stream.indirect.scatter.add.f32 [tilespmem:s14], [sflag:$0x3], $0x80, s30, s11, $0xb8;
	[tilespmem:$0x1F800] =	vst v63  }
0x92: {  	_ =	swait.ge [sflag:s15], $0x3E80  }
0x93: {  	[sflag:s15] =	ssyncset.done $0x0  }
0x94: {  	s31 =	simm.s32 $0x200;
	[sflag:s15] =	ssyncadd.s32 $0xFFFFC180  }
0x95: {  	[tilespmem:s14], [sflag:$0x1] =	stream.indirect.gather [hbm4b:s5+s11], $0x80, s31, s11, $0xb8;
	[tilespmem:$0x1F800] =	vst v63  }
0x96: {  	_ =	swait.ge [sflag:s16], $0x3E80  }
0x97: {  	[sflag:s16] =	ssyncset.done $0x0  }
0x98: {  	s17 =	simm.s32 $0xFFFECC00;
	s18 =	simm.s32 $0x5180;
	[sflag:s16] =	ssyncadd.s32 $0xFFFFC180  }
.LBB2_3:
0x99: {  	[spmem:s3] =	stream.indirect.scatter.add.f32 [tilespmem:s12], [sflag:$0x4], $0x80, s18, s11, $0xb8;
	[tilespmem:$0x1F800] =	vst v63  }
0x9a: {  	s18 =	smov.u32 s17  }
0x9b: {  	p0 =	sne.s32 s17, $0xFFFFFC00;
	s17 =	sadd.s32 $0x400, s17;
	_ =	swait.ge [sflag:s10], $0x3E80  }
0x9c: {  	s18 =	sshra.s32 s18, $0x2;
	[sflag:s10] =	ssyncset.done $0x0  }
0x9d: {  	s19 =	sadd.s32 $0x4F80, s18;
	[sflag:s10] =	ssyncadd.s32 $0xFFFFC180  }
0x9e: {  	[tilespmem:s12], [sflag:$0x2] =	stream.indirect.gather [hbm4b:s5+s11], $0x80, s19, s11, $0xb8;
	[tilespmem:$0x1F800] =	vst v63  }
0x9f: {  	_ =	swait.ge [sflag:s13], $0x3E80  }
0xa0: {  	[sflag:s13] =	ssyncset.done $0x0  }
0xa1: {  	s19 =	sadd.s32 $0x9F00, s18;
	[sflag:s13] =	ssyncadd.s32 $0xFFFFC180  }
0xa2: {  	[spmem:s3] =	stream.indirect.scatter.add.f32 [tilespmem:s14], [sflag:$0x3], $0x80, s19, s11, $0xb8;
	[tilespmem:$0x1F800] =	vst v63  }
0xa3: {  	_ =	swait.ge [sflag:s15], $0x3E80  }
0xa4: {  	[sflag:s15] =	ssyncset.done $0x0  }
.Ltmp1:
0xa5: {  	s19 =	sadd.s32 $0x5000, s18;
	[sflag:s15] =	ssyncadd.s32 $0xFFFFC180;
	(pc) =	sbr.rel @p0 .LBB2_3-.Ltmp1, $4  }
0xa6: {  	[tilespmem:s14], [sflag:$0x1] =	stream.indirect.gather [hbm4b:s5+s11], $0x80, s19, s11, $0xb8;
	[tilespmem:$0x1F800] =	vst v63  }
0xa7: {  	_ =	swait.ge [sflag:s16], $0x3E80  }
0xa8: {  	[sflag:s16] =	ssyncset.done $0x0  }
0xa9: {  	s18 =	sadd.s32 $0x9F80, s18;
	[sflag:s16] =	ssyncadd.s32 $0xFFFFC180  }
0xaa: {  	[spmem:s3] =	stream.indirect.scatter.add.f32 [tilespmem:s12], [sflag:$0x4], $0x80, s18, s11, $0xb8;
	[tilespmem:$0x1F800] =	vst v63  }
0xab: {  	s10 =	simm.s32 $0x4  }
0xac: {  	_ =	swait.ge [sflag:s10], $0x3E80  }
0xad: {  	s11 =	simm.s32 $0x7D;
	[sflag:s10] =	ssyncset.done $0x0  }
0xae: {  	s13 =	simm.s32 $0x4F80;
	s12 =	simm.s32 $0xE000;
	[sflag:s10] =	ssyncadd.s32 $0xFFFFC180  }
0xaf: {  	[tilespmem:s12], [sflag:$0x2] =	stream.indirect.gather [hbm4b:s5+s11], $0x80, s13, s11, $0xb8;
	[tilespmem:$0x1F800] =	vst v63  }
0xb0: {  	s13 =	simm.s32 $0x1  }
0xb1: {  	_ =	swait.ge [sflag:s13], $0x3E80  }
0xb2: {  	[sflag:s13] =	ssyncset.done $0x0  }
0xb3: {  	s15 =	simm.s32 $0x9F00;
	s14 =	simm.s32 $0xA000;
	[sflag:s13] =	ssyncadd.s32 $0xFFFFC180  }
0xb4: {  	[spmem:s3] =	stream.indirect.scatter.add.f32 [tilespmem:s14], [sflag:$0x3], $0x80, s15, s11, $0xb8;
	[tilespmem:$0x1F800] =	vst v63  }
0xb5: {  	s15 =	simm.s32 $0x3  }
0xb6: {  	_ =	swait.ge [sflag:s15], $0x3E80  }
0xb7: {  	[sflag:s15] =	ssyncset.done $0x0  }
0xb8: {  	s16 =	simm.s32 $0x2;
	[sflag:s15] =	ssyncadd.s32 $0xFFFFC180  }
0xb9: {  	_ =	swait.ge [sflag:s16], $0x3E80  }
0xba: {  	[sflag:s16] =	ssyncset.done $0x0  }
0xbb: {  	s17 =	simm.s32 $0x9F80;
	[sflag:s16] =	ssyncadd.s32 $0xFFFFC180  }
0xbc: {  	[spmem:s3] =	stream.indirect.scatter.add.f32 [tilespmem:s12], [sflag:$0x4], $0x80, s17, s11, $0xb8;
	[tilespmem:$0x1F800] =	vst v63  }
0xbd: {  	_ =	swait.ge [sflag:s10], $0x3E80  }
0xbe: {  	[sflag:s10] =	ssyncset.done $0x0  }
0xbf: {  	s21 =	smul.u32 $0x6C00, s1;
	[sflag:s10] =	ssyncadd.s32 $0xFFFFC180  }
0xc0: {  	s22 =	simm.s32 $0x12000;
	s19 =	simm.s32 $0x5;
	[bflag:$0x0] =	sbarrier.arrive $0xFFFF  }
0xc1: {  	[tilespmem:s22], [sflag:$0x5] =	stream.linear.gather [spmem:s4], $0x6C00, $0x38;
	[tilespmem:$0x1F800] =	vst v63  }
0xc2: {  	s17 =	sshrl.u32 s21, $0x3;
	_ =	swait.ge [sflag:s19], $0x6C00  }
0xc3: {  	s9 =	sadd.s32 s9, s17;
	[sflag:s19] =	ssyncset.done $0x0  }
0xc4: {  	s20 =	simm.s32 $0x0;
	s17 =	sadd.s32 $0xD800, s9;
	[sflag:s19] =	ssyncadd.s32 $0xFFFF9400  }
0xc5: {  	[hbm4b:s17+s20] =	stream.linear.scatter [tilespmem:s22], [sflag:$0x5], $0x6C00, $0x38;
	[tilespmem:$0x1F800] =	vst v63  }
0xc6: {  	_ =	swait.ge [sflag:s19], $0x6C00  }
0xc7: {  	[sflag:s19] =	ssyncset.done $0x0  }
0xc8: {  	[sflag:s19] =	ssyncadd.s32 $0xFFFF9400  }
0xc9: {  	[bflag:$0x0] =	sbarrier.arrive $0xFFFF  }
0xca: {  	[tilespmem:s22], [sflag:$0x5] =	stream.linear.gather [hbm4b:s2+s20], $0x6C00, $0x38;
	[tilespmem:$0x1F800] =	vst v63  }
0xcb: {  	_ =	swait.ge [sflag:s19], $0x6C00  }
0xcc: {  	s8 =	sadd.s32 $0x14000, s8;
	[sflag:s19] =	ssyncset.done $0x0  }
0xcd: {  	s6 =	sadd.s32 s6, s8;
	[sflag:s19] =	ssyncadd.s32 $0xFFFF9400  }
0xce: {  	[tilespmem:s20], [sflag:$0x5] =	stream.linear.gather [hbm4b:s6+s20], $0x5000, $0x38;
	[tilespmem:$0x1F800] =	vst v63  }
0xcf: {  	_ =	swait.ge [sflag:s19], $0x5000  }
0xd0: {  	[sflag:s19] =	ssyncset.done $0x0  }
0xd1: {  	s24 =	simm.s32 $0x5000;
	s23 =	sadd.s32 s7, s8;
	[sflag:s19] =	ssyncadd.s32 $0xFFFFB000  }
0xd2: {  	[tilespmem:s24], [sflag:$0x5] =	stream.linear.gather [hbm4b:s23+s20], $0x5000, $0x38;
	[tilespmem:$0x1F800] =	vst v63  }
0xd3: {  	_ =	swait.ge [sflag:s19], $0x5000  }
0xd4: {  	[sflag:s19] =	ssyncset.done $0x0  }
0xd5: {  	[sflag:s19] =	ssyncadd.s32 $0xFFFFB000  }
0xd6: {  	[spmem:s4] =	stream.linear.scatter [tilespmem:s22], [sflag:$0x5], $0x6C00, $0x38;
	[tilespmem:$0x1F800] =	vst v63  }
0xd7: {  	_ =	swait.ge [sflag:s19], $0x6C00  }
0xd8: {  	[sflag:s19] =	ssyncset.done $0x0  }
0xd9: {  	[sflag:s19] =	ssyncadd.s32 $0xFFFF9400  }
0xda: {  	[bflag:$0x0] =	sbarrier.arrive $0xFFFF  }
0xdb: {  	[tilespmem:s14], [sflag:$0x1] =	stream.indirect.gather [hbm4b:s5+s11], $0x80, s20, s11, $0xb8;
	[tilespmem:$0x1F800] =	vst v63  }
0xdc: {  	s25 =	simm.s32 $0x80  }
0xdd: {  	[tilespmem:s12], [sflag:$0x2] =	stream.indirect.gather [hbm4b:s5+s11], $0x80, s25, s11, $0xb8;
	[tilespmem:$0x1F800] =	vst v63  }
0xde: {  	_ =	swait.ge [sflag:s13], $0x3E80  }
0xdf: {  	[sflag:s13] =	ssyncset.done $0x0  }
0xe0: {  	[sflag:s13] =	ssyncadd.s32 $0xFFFFC180  }
0xe1: {  	[spmem:s3] =	stream.indirect.scatter.add.f32 [tilespmem:s14], [sflag:$0x3], $0x80, s24, s11, $0xb8;
	[tilespmem:$0x1F800] =	vst v63  }
0xe2: {  	_ =	swait.ge [sflag:s15], $0x3E80  }
0xe3: {  	[sflag:s15] =	ssyncset.done $0x0  }
0xe4: {  	s26 =	simm.s32 $0x100;
	[sflag:s15] =	ssyncadd.s32 $0xFFFFC180  }
0xe5: {  	[tilespmem:s14], [sflag:$0x1] =	stream.indirect.gather [hbm4b:s5+s11], $0x80, s26, s11, $0xb8;
	[tilespmem:$0x1F800] =	vst v63  }
0xe6: {  	_ =	swait.ge [sflag:s16], $0x3E80  }
0xe7: {  	[sflag:s16] =	ssyncset.done $0x0  }
0xe8: {  	s28 =	simm.s32 $0x5080;
	[sflag:s16] =	ssyncadd.s32 $0xFFFFC180  }
0xe9: {  	[spmem:s3] =	stream.indirect.scatter.add.f32 [tilespmem:s12], [sflag:$0x4], $0x80, s28, s11, $0xb8;
	[tilespmem:$0x1F800] =	vst v63  }
0xea: {  	_ =	swait.ge [sflag:s10], $0x3E80  }
0xeb: {  	[sflag:s10] =	ssyncset.done $0x0  }
0xec: {  	s29 =	simm.s32 $0x180;
	[sflag:s10] =	ssyncadd.s32 $0xFFFFC180  }
0xed: {  	[tilespmem:s12], [sflag:$0x2] =	stream.indirect.gather [hbm4b:s5+s11], $0x80, s29, s11, $0xb8;
	[tilespmem:$0x1F800] =	vst v63  }
0xee: {  	_ =	swait.ge [sflag:s13], $0x3E80  }
0xef: {  	[sflag:s13] =	ssyncset.done $0x0  }
0xf0: {  	s30 =	simm.s32 $0x5100;
	[sflag:s13] =	ssyncadd.s32 $0xFFFFC180  }
0xf1: {  	[spmem:s3] =	stream.indirect.scatter.add.f32 [tilespmem:s14], [sflag:$0x3], $0x80, s30, s11, $0xb8;
	[tilespmem:$0x1F800] =	vst v63  }
0xf2: {  	_ =	swait.ge [sflag:s15], $0x3E80  }
0xf3: {  	[sflag:s15] =	ssyncset.done $0x0  }
0xf4: {  	s31 =	simm.s32 $0x200;
	[sflag:s15] =	ssyncadd.s32 $0xFFFFC180  }
0xf5: {  	[tilespmem:s14], [sflag:$0x1] =	stream.indirect.gather [hbm4b:s5+s11], $0x80, s31, s11, $0xb8;
	[tilespmem:$0x1F800] =	vst v63  }
0xf6: {  	_ =	swait.ge [sflag:s16], $0x3E80  }
0xf7: {  	[sflag:s16] =	ssyncset.done $0x0  }
0xf8: {  	s7 =	simm.s32 $0x5180;
	s6 =	simm.s32 $0xFFFECC00;
	[sflag:s16] =	ssyncadd.s32 $0xFFFFC180  }
.LBB2_5:
0xf9: {  	[spmem:s3] =	stream.indirect.scatter.add.f32 [tilespmem:s12], [sflag:$0x4], $0x80, s7, s11, $0xb8;
	[tilespmem:$0x1F800] =	vst v63  }
0xfa: {  	s7 =	smov.u32 s6  }
0xfb: {  	p0 =	sne.s32 s6, $0xFFFFFC00;
	s6 =	sadd.s32 $0x400, s6;
	_ =	swait.ge [sflag:s10], $0x3E80  }
0xfc: {  	s7 =	sshra.s32 s7, $0x2;
	[sflag:s10] =	ssyncset.done $0x0  }
0xfd: {  	s8 =	sadd.s32 $0x4F80, s7;
	[sflag:s10] =	ssyncadd.s32 $0xFFFFC180  }
0xfe: {  	[tilespmem:s12], [sflag:$0x2] =	stream.indirect.gather [hbm4b:s5+s11], $0x80, s8, s11, $0xb8;
	[tilespmem:$0x1F800] =	vst v63  }
0xff: {  	_ =	swait.ge [sflag:s13], $0x3E80  }
0x100: {  	[sflag:s13] =	ssyncset.done $0x0  }
0x101: {  	s8 =	sadd.s32 $0x9F00, s7;
	[sflag:s13] =	ssyncadd.s32 $0xFFFFC180  }
0x102: {  	[spmem:s3] =	stream.indirect.scatter.add.f32 [tilespmem:s14], [sflag:$0x3], $0x80, s8, s11, $0xb8;
	[tilespmem:$0x1F800] =	vst v63  }
0x103: {  	_ =	swait.ge [sflag:s15], $0x3E80  }
0x104: {  	[sflag:s15] =	ssyncset.done $0x0  }
.Ltmp2:
0x105: {  	s8 =	sadd.s32 $0x5000, s7;
	[sflag:s15] =	ssyncadd.s32 $0xFFFFC180;
	(pc) =	sbr.rel @p0 .LBB2_5-.Ltmp2, $4  }
0x106: {  	[tilespmem:s14], [sflag:$0x1] =	stream.indirect.gather [hbm4b:s5+s11], $0x80, s8, s11, $0xb8;
	[tilespmem:$0x1F800] =	vst v63  }
0x107: {  	_ =	swait.ge [sflag:s16], $0x3E80  }
0x108: {  	[sflag:s16] =	ssyncset.done $0x0  }
0x109: {  	s7 =	sadd.s32 $0x9F80, s7;
	[sflag:s16] =	ssyncadd.s32 $0xFFFFC180  }
0x10a: {  	[spmem:s3] =	stream.indirect.scatter.add.f32 [tilespmem:s12], [sflag:$0x4], $0x80, s7, s11, $0xb8;
	[tilespmem:$0x1F800] =	vst v63  }
0x10b: {  	s6 =	simm.s32 $0x4  }
0x10c: {  	_ =	swait.ge [sflag:s6], $0x3E80  }
0x10d: {  	s20 =	simm.s32 $0x7D;
	s8 =	simm.s32 $0x4F80;
	[sflag:s6] =	ssyncset.done $0x0  }
0x10e: {  	s10 =	simm.s32 $0xE000;
	s21 =	simm.s32 $0x1;
	[sflag:s6] =	ssyncadd.s32 $0xFFFFC180  }
0x10f: {  	[tilespmem:s10], [sflag:$0x2] =	stream.indirect.gather [hbm4b:s5+s20], $0x80, s8, s20, $0xb8;
	[tilespmem:$0x1F800] =	vst v63  }
0x110: {  	_ =	swait.ge [sflag:s21], $0x3E80  }
0x111: {  	s22 =	simm.s32 $0x9F00;
	[sflag:s21] =	ssyncset.done $0x0  }
0x112: {  	s23 =	simm.s32 $0xA000;
	s24 =	simm.s32 $0x3;
	[sflag:s21] =	ssyncadd.s32 $0xFFFFC180  }
0x113: {  	[spmem:s3] =	stream.indirect.scatter.add.f32 [tilespmem:s23], [sflag:$0x3], $0x80, s22, s20, $0xb8;
	[tilespmem:$0x1F800] =	vst v63  }
0x114: {  	_ =	swait.ge [sflag:s24], $0x3E80  }
0x115: {  	[sflag:s24] =	ssyncset.done $0x0  }
0x116: {  	s25 =	simm.s32 $0x2;
	[sflag:s24] =	ssyncadd.s32 $0xFFFFC180  }
0x117: {  	_ =	swait.ge [sflag:s25], $0x3E80  }
0x118: {  	[sflag:s25] =	ssyncset.done $0x0  }
0x119: {  	s26 =	simm.s32 $0x9F80;
	[sflag:s25] =	ssyncadd.s32 $0xFFFFC180  }
0x11a: {  	[spmem:s3] =	stream.indirect.scatter.add.f32 [tilespmem:s10], [sflag:$0x4], $0x80, s26, s20, $0xb8;
	[tilespmem:$0x1F800] =	vst v63  }
0x11b: {  	_ =	swait.ge [sflag:s6], $0x3E80  }
0x11c: {  	[sflag:s6] =	ssyncset.done $0x0  }
0x11d: {  	[sflag:s6] =	ssyncadd.s32 $0xFFFFC180  }
0x11e: {  	s28 =	simm.s32 $0x12000;
	s29 =	simm.s32 $0x5;
	[bflag:$0x0] =	sbarrier.arrive $0xFFFF  }
0x11f: {  	[tilespmem:s28], [sflag:$0x5] =	stream.linear.gather [spmem:s4], $0x6C00, $0x38;
	[tilespmem:$0x1F800] =	vst v63  }
0x120: {  	_ =	swait.ge [sflag:s29], $0x6C00  }
0x121: {  	[sflag:s29] =	ssyncset.done $0x0  }
0x122: {  	s30 =	sadd.s32 $0x1B000, s9;
	s31 =	simm.s32 $0x0;
	[sflag:s29] =	ssyncadd.s32 $0xFFFF9400  }
0x123: {  	[hbm4b:s30+s31] =	stream.linear.scatter [tilespmem:s28], [sflag:$0x5], $0x6C00, $0x38;
	[tilespmem:$0x1F800] =	vst v63  }
0x124: {  	_ =	swait.ge [sflag:s29], $0x6C00  }
0x125: {  	[sflag:s29] =	ssyncset.done $0x0  }
0x126: {  	[sflag:s29] =	ssyncadd.s32 $0xFFFF9400  }
0x127: {  	[bflag:$0x0] =	sbarrier.arrive $0xFFFF  }
0x128: {  	[tilespmem:s28], [sflag:$0x5] =	stream.linear.gather [hbm4b:s2+s31], $0x6C00, $0x38;
	[tilespmem:$0x1F800] =	vst v63  }
0x129: {  	_ =	swait.ge [sflag:s29], $0x6C00  }
0x12a: {  	[sflag:s29] =	ssyncset.done $0x0  }
0x12b: {  	[sflag:s29] =	ssyncadd.s32 $0xFFFF9400  }
0x12c: {  	_ =	sfence.sel $0x180000  }
0x12d: {  	[bflag:$0x0] =	sbarrier.arrive $0xFFFF  }
0x12e: {  	p0 =	sne.s32 s1, $0x0;
	_ =	strace $0x9000004D  }
0x12f: {  	s0 =	sadd.s32 @!p0 $0x100000, s0;
	[bflag:$0x2] =	sbarrier.arrive $0xFFFF  }
0x130: {  	[sflag:s0] =	ssyncadd.tile.s32 @!p0 $0x1;
	_ =	shalt  }
.Lfunc_end2:
_tile_overlayer_lowered:
.L_overlay_start_2:
0x131: {  	(tag) =	ssettag $0x2  }
0x132: {  	s0 =	rddreg [dreg:$0x0];
	s2 =	stileid.u32  }
0x133: {  	s1 =	rddreg [dreg:$0x1];
	p0 =	sne.s32 s2, $0x0  }
0x134: {  	s3 =	rddreg [dreg:$0x2];
	[bflag:$0x3] =	sbarrier.arrive $0xFFFF;
	s2 =	simm.s32 @!p0 $0x1C05  }
0x135: {  	[timem:s3], [sflag:s2] =	dma.local @!p0 [hbm:s0], s1  }
0x136: {  	s0 =	simm.s32 @!p0 $0x5  }
0x137: {  	_ =	swait.ge @!p0 [sflag:s0], s1  }
0x138: {  	s1 =	ssub.s32 @!p0 $0x0, s1;
	[sflag:s0] =	ssyncset.done @!p0 $0x0  }
0x139: {  	[sflag:s0] =	ssyncadd.s32 @!p0 s1  }
0x13a: {  	[bflag:$0x3] =	sbarrier.arrive $0xFFFF  }
0x13b: {  	_ =	shalt  }

// kernel: kernel.6.cloned.1.call-start
scs
__scs_entry_jumppad:
0x0: {  	(pc) =	sbr.rel $0x88, $3  }
0x1: {  	(tag) =	ssettag $0x0;
	lr =	simm.s32 $0x1  }
0x2: {  	[smem:$0x3F89] =	sst lr;
	_ =	strace $0xD0000000  }
0x3: {  	_ = 	snop  }
0x4: {  	_ = 	snop  }
0x5: {  	_ = 	snop  }
0x6: {  	_ = 	snop  }
0x7: {  	_ = 	snop  }
__scs_overlays_trampoline_lowered:
0x8: {  	[smem:$0x3F98] =	sst s0  }
0x9: {  	[smem:$0x3F99] =	sst s1  }
0xa: {  	[smem:$0x3F9A] =	sst s2  }
0xb: {  	[smem:$0x3F9B] =	sst s3  }
0xc: {  	[smem:$0x3F9C] =	sst s4  }
0xd: {  	[smem:$0x3F9D] =	sst s5  }
0xe: {  	[smem:$0x3F9E] =	sst s6  }
0xf: {  	[smem:$0x3F9F] =	sst s7  }
0x10: {  	[smem:$0x3FA0] =	sst s8  }
0x11: {  	[smem:$0x3FA1] =	sst s9;
	s0 =	simm.s32 @!p0 $0x0  }
0x12: {  	s1 =	sld [smem:$0x3F87];
	s0 =	simm.s32 @p0 $0x1  }
0x13: {  	[smem:$0x3FA2] =	sst s0;
	s0 =	simm.s32 @!p1 $0x0  }
0x14: {  	s2 =	sld [smem:$0x3F86];
	s0 =	simm.s32 @p1 $0x1  }
0x15: {  	[smem:$0x3FA3] =	sst s0;
	s0 =	simm.s32 @!p2 $0x0  }
0x16: {  	s3 =	sld [smem:$0x3FDB];
	s0 =	simm.s32 @p2 $0x1  }
0x17: {  	s4 =	simm.s32 $0x1BF5;
	[smem:$0x3FA5] =	sst s0  }
0x18: {  	s0 =	sld [smem:$0x3F88];
	_ =	swait.ge [sflag:s4], $0x0  }
0x19: {  	s7 =	sld [smem:$0x3F89]  }
0x1a: {  	s8 =	sadd.s32 $0xFFFFE003, lr  }
0x1b: {  	s9 =	sadd.s32 $0xFFFFFEF7, lr;
	s5 =	simm.s32 $0xFFFFFFFF;
	p2 =	slt.u32 s8, $0xFFFFF086  }
0x1c: {  	p1 =	slt.u32 s9, $0xF7A;
	s5 =	simm.s32 @!p2 $0x0  }
0x1d: {  	s5 =	simm.s32 @p1 $0x1;
	p0 =	seq.s32 s7, s2  }
0x1e: {  	s7 =	smul.u32 @!p0 $0xF7A, s2;
	p2 =	seq.s32 @!p0 s5, $0x0  }
0x1f: {  	s9 =	smul.u32 $0xF7A, s1;
	s8 =	simm.s32 @!p0 $0x1BF5;
	p2 =	por !p2, p0  }
0x20: {  	[sflag:s8] =	ssyncset.s32 @!p0 $0xFFFFF086;
	s6 =	sadd.s32 @!p0 s3, s7;
	s7 =	simm.s32 @!p0 $0x108  }
0x21: {  	s3 =	sadd.s32 s3, s9;
	s6 =	sadd.s32 @!p0 $0x88, s6;
	s7 =	simm.s32 @p2 $0x1082  }
0x22: {  	[simem:s7], [sflag:s8] =	dma.local @!p0 [hbm:s6], $0xF7A  }
0x23: {  	s9 =	sor.u32 $0xD0000000, s2;
	s6 =	simm.s32 $0x108;
	_ =	swait.ge @!p0 [sflag:s8], $0x0  }
0x24: {  	s3 =	sadd.s32 $0x88, s3;
	s6 =	simm.s32 @!p1 $0x1082;
	[sflag:s4] =	ssyncset.s32 $0xFFFFF086  }
0x25: {  	[simem:s6], [sflag:s4] =	dma.local [hbm:s3], $0xF7A  }
0x26: {  	[smem:$0x3F89] =	sst s1;
	(tag) =	ssettag s2;
	_ =	strace s9  }
0x27: {  	s1 =	sld [smem:$0x3F99]  }
0x28: {  	s2 =	sld [smem:$0x3F9A]  }
0x29: {  	s4 =	sld [smem:$0x3F9C]  }
0x2a: {  	p0 =	seq.s32 s5, $0x0;
	s5 =	sld [smem:$0x3F9D]  }
0x2b: {  	s6 =	sld [smem:$0x3F9E]  }
0x2c: {  	s7 =	sld [smem:$0x3F9F]  }
0x2d: {  	s3 =	simm.s32 $0x108;
	s8 =	sld [smem:$0x3FA0]  }
0x2e: {  	s3 =	simm.s32 @!p0 $0x1082;
	s9 =	sld [smem:$0x3FA1]  }
0x2f: {  	lr =	sadd.s32 s0, s3;
	s0 =	sld [smem:$0x3F98]  }
0x30: {  	s3 =	sld [smem:$0x3F9B]  }
0x31: {  	[smem:$0x3FA4] =	sst s10  }
0x32: {  	s10 =	sld [smem:$0x3FA2];
	_ =	sdelay $0x3  }
0x33: {  	p0 =	seq.s32 s10, $0x1;
	s10 =	sld [smem:$0x3FA4];
	_ =	sdelay $0x3  }
0x34: {  	[smem:$0x3FA4] =	sst s10  }
0x35: {  	s10 =	sld [smem:$0x3FA3];
	_ =	sdelay $0x3  }
0x36: {  	p1 =	seq.s32 s10, $0x1;
	s10 =	sld [smem:$0x3FA4];
	_ =	sdelay $0x3  }
0x37: {  	[smem:$0x3FA4] =	sst s10  }
0x38: {  	s10 =	sld [smem:$0x3FA5]  }
0x39: {  	_ = 	snop;
	(pc) =	sbr.ind lr, $3  }
0x3a: {  	_ = 	snop  }
0x3b: {  	_ = 	snop  }
0x3c: {  	p2 =	seq.s32 s10, $0x1;
	s10 =	sld [smem:$0x3FA4]  }
0x3d: {  	_ =	shalt  }
0x3e: {  	_ =	shalt  }
0x3f: {  	_ =	shalt  }
0x40: {  	_ =	shalt  }
0x41: {  	_ =	shalt  }
0x42: {  	_ =	shalt  }
0x43: {  	_ =	shalt  }
0x44: {  	_ =	shalt  }
0x45: {  	_ =	shalt  }
0x46: {  	_ =	shalt  }
0x47: {  	_ =	shalt  }
0x48: {  	_ =	shalt  }
0x49: {  	_ =	shalt  }
0x4a: {  	_ =	shalt  }
0x4b: {  	_ =	shalt  }
0x4c: {  	_ =	shalt  }
0x4d: {  	_ =	shalt  }
0x4e: {  	_ =	shalt  }
0x4f: {  	_ =	shalt  }
0x50: {  	_ =	shalt  }
0x51: {  	_ =	shalt  }
0x52: {  	_ =	shalt  }
0x53: {  	_ =	shalt  }
0x54: {  	_ =	shalt  }
0x55: {  	_ =	shalt  }
0x56: {  	_ =	shalt  }
0x57: {  	_ =	shalt  }
0x58: {  	_ =	shalt  }
0x59: {  	_ =	shalt  }
0x5a: {  	_ =	shalt  }
0x5b: {  	_ =	shalt  }
0x5c: {  	_ =	shalt  }
0x5d: {  	_ =	shalt  }
0x5e: {  	_ =	shalt  }
0x5f: {  	_ =	shalt  }
0x60: {  	_ =	shalt  }
0x61: {  	_ =	shalt  }
0x62: {  	_ =	shalt  }
0x63: {  	_ =	shalt  }
0x64: {  	_ =	shalt  }
0x65: {  	_ =	shalt  }
0x66: {  	_ =	shalt  }
0x67: {  	_ =	shalt  }
0x68: {  	_ =	shalt  }
0x69: {  	_ =	shalt  }
0x6a: {  	_ =	shalt  }
0x6b: {  	_ =	shalt  }
0x6c: {  	_ =	shalt  }
0x6d: {  	_ =	shalt  }
0x6e: {  	_ =	shalt  }
0x6f: {  	_ =	shalt  }
0x70: {  	_ =	shalt  }
0x71: {  	_ =	shalt  }
0x72: {  	_ =	shalt  }
0x73: {  	_ =	shalt  }
0x74: {  	_ =	shalt  }
0x75: {  	_ =	shalt  }
0x76: {  	_ =	shalt  }
0x77: {  	_ =	shalt  }
0x78: {  	_ =	shalt  }
0x79: {  	_ =	shalt  }
0x7a: {  	_ =	shalt  }
0x7b: {  	_ =	shalt  }
0x7c: {  	_ =	shalt  }
0x7d: {  	_ =	shalt  }
0x7e: {  	_ =	shalt  }
0x7f: {  	_ =	shalt  }
0x80: {  	_ =	shalt  }
0x81: {  	_ =	shalt  }
0x82: {  	_ =	shalt  }
0x83: {  	_ =	shalt  }
0x84: {  	_ =	shalt  }
0x85: {  	_ =	shalt  }
0x86: {  	_ =	shalt  }
0x87: {  	_ =	shalt  }
.Lfunc_end0:
.L_simem_size_0:
called_computation.1_lowered:
.L_overlay_start_0:
0x88: {  	s0 =	sld [smem:$0x3FD9]  }
0x89: {  	s1 =	sld [smem:$0x3FFE];
	_ =	sdelay $0x3  }
0x8a: {  	s0 =	sadd.s32 s1, s0  }
0x8b: {  	[smem:$0x3FB0] =	sst s0  }
0x8c: {  	_ = 	snop  }
0x8d: {  	(tm) =	ssettm $0x1  }
0x8e: {  	s15 =	sld [smem:$0x3FFB];
	_ =	sdelay $0x3  }
0x8f: {  	_ =	strace s15  }
0x90: {  	s0 =	sld [smem:$0x3FFC];
	_ =	sdelay $0x3  }
0x91: {  	_ =	strace s0  }
0x92: {  	s0 =	sld [smem:$0x3FFD];
	_ =	sdelay $0x3  }
0x93: {  	_ =	strace s0  }
0x94: {  	_ =	strace $0x8FFFFFFF  }
0x95: {  	s16 =	sld [smem:$0x3FDB];
	_ =	sdelay $0x1  }
0x96: {  	s17 =	simm.s32 $_scs_section_size  }
0x97: {  	s2 =	simm.s32 $_size__tile_overlayer_lowered;
	s3 =	simm.s32 $_tile_overlayer_lowered  }
0x98: {  	s20 =	simm.s32 $0x1BFF;
	s19 =	sshll.u32 s3, $0x1;
	s0 =	sadd.s32 s17, s16  }
0x99: {  	s4 =	simm.s32 $0x0;
	s18 =	sshll.u32 s2, $0x1;
	s2 =	sadd.s32 s19, s0  }
0x9a: {  	[timem:s4], [sflag:s20] =	dma.local [hbm:s2], s18  }
0x9b: {  	_ =	swait.ge [sflag:s20], s18  }
0x9c: {  	s1 =	ssub.s32 $0x0, s18;
	[sflag:s20] =	ssyncset.done $0x0  }
0x9d: {  	[sflag:s20] =	ssyncadd.s32 s1;
	_ =	sdelay $0x1  }
0x9e: {  	s21 =	simm.s32 $0x1B8B  }
0x9f: {  	_ =	swait.ge [sflag:s21], $0x1  }
0xa0: {  	[sflag:s21] =	ssyncset.done $0x0  }
0xa1: {  	s23 =	simm.s32 $0x1B8E;
	s22 =	sld [smem:$0x3FFE];
	[sflag:s21] =	ssyncadd.s32 $0xFFFFFFFF  }
0xa2: {  	s24 =	simm.s32 $execute0_lowered;
	[smem:$0x3FD2] =	sst s23  }
0xa3: {  	s2 =	sshll.u32 s24, $0x1;
	_ =	strace $0x80000046;
	[dreg:$0x1] =	wrdreg $0xFFFFFFFF  }
0xa4: {  	s25 =	simm.s32 $_size_execute0_lowered;
	s0 =	sadd.s32 s0, s2;
	[dreg:$0x0] =	wrdreg $0x0  }
0xa5: {  	s2 =	sshll.u32 s25, $0x1;
	[dreg:$0x2] =	wrdreg s0  }
0xa6: {  	[dreg:$0x3] =	wrdreg s2  }
0xa7: {  	[dreg:$0x4] =	wrdreg $0xC0  }
0xa8: {  	_ =	task [dreg:s4], $0x5FFFF  }
0xa9: {  	[dreg:$0x1] =	wrdreg $0xFFFFFFFF  }
0xaa: {  	[dreg:$0x0] =	wrdreg $0x60  }
0xab: {  	[dreg:$0x2] =	wrdreg s22  }
0xac: {  	[dreg:$0x3] =	wrdreg $0x53000  }
0xad: {  	[dreg:$0x4] =	wrdreg $0x9  }
0xae: {  	_ =	task.clear_ibuf [dreg:s4], $0x5FFFF;
	_ =	strace $0x90000046  }
0xaf: {  	s26 =	simm.s32 $0x9;
	_ =	strace $0x80000048  }
0xb0: {  	_ =	swait.ge [sflag:s26], $0x1  }
0xb1: {  	[sflag:s26] =	ssyncadd.s32 $0xFFFFFFFF  }
0xb2: {  	_ =	strace $0x90000048  }
0xb3: {  	_ =	sfence  }
0xb4: {  	s28 =	sld [smem:$0x0];
	_ =	sdelay $0x1  }
0xb5: {  	s29 =	srdreg.scid  }
0xb6: {  	s30 =	sshll.u32 s29, $0xD;
	s31 =	sshrl.u32 s29, $0x2  }
0xb7: {  	s1 =	sand.u32 $0x1, s29;
	s2 =	sand.u32 $0x4000, s30;
	s0 =	sadd.s32 s31, s28  }
0xb8: {  	s1 =	sor.u32 s2, s1;
	s0 =	sshll.u32 s0, $0x11  }
0xb9: {  	s0 =	sor.u32 s0, s1  }
0xba: {  	s0 =	sadd.s32 $0x8F2B, s0  }
0xbb: {  	[sflag:s0] =	ssyncadd.remote.s32 $0x1  }
0xbc: {  	_ =	sfence.sel $0xFFFF  }
0xbd: {  	[dreg:$0x0] =	wrdreg $0xFFFFFFFF;
	(pc) =	sbr.abs _section_cstart, $3  }
0xbe: {  	[dreg:$0x1] =	wrdreg $0xFFFFFFFF  }
0xbf: {  	_ =	task.clear_ibuf [dreg:s4], $0x2FFFF;
	_ =	strace $0x9FFFFFFF  }
0xc0: {  	(tm) =	ssettm $0x7FFFFFFF  }
0xc1: {  	_ =	shalt  }
tec
execute0_lowered:
.L_overlay_start_1:
0x0: {  	(tag) =	ssettag $0x1  }
0x1: {  	s0 =	stileid.u32  }
0x2: {  	s7 =	rddreg [dreg:$0x0];
	s3 =	smul.u32 $0xA00, s0  }
0x3: {  	s2 =	rddreg [dreg:$0x1];
	s5 =	simm.s32 $0x0  }
0x4: {  	[smem:$0x7FF] =	sst s5;
	s3 =	sadd.s32 s3, s7  }
0x5: {  	s1 =	rddreg [dreg:$0x2];
	_ =	strace $0x80000047;
	s3 =	sadd.s32 $0x17E00, s3  }
0x6: {  	[tilespmem:s5], [sflag:$0x1] =	stream.linear.gather [hbm4b:s3+s5], $0x5000, $0x38;
	[tilespmem:$0x5580] =	vst v63  }
0x7: {  	s3 =	simm.s32 $0x1  }
0x8: {  	_ =	swait.ge [sflag:s3], $0x5000  }
0x9: {  	[sflag:s3] =	ssyncset.done $0x0  }
0xa: {  	s4 =	simm.s32 $0x5000;
	s6 =	sadd.s32 $0x21E00, s7;
	[sflag:s3] =	ssyncadd.s32 $0xFFFFB000  }
0xb: {  	[tilespmem:s4], [sflag:$0x1] =	stream.linear.gather [hbm4b:s6+s5], $0x80, $0x38;
	[tilespmem:$0x5580] =	vst v63  }
0xc: {  	_ =	swait.ge [sflag:s3], $0x80  }
0xd: {  	[sflag:s3] =	ssyncset.done $0x0  }
0xe: {  	s8 =	simm.s32 $0x5080;
	s31 =	sadd.s32 $0x22000, s7;
	[sflag:s3] =	ssyncadd.s32 $0xFFFFFF80  }
0xf: {  	[tilespmem:s8], [sflag:$0x1] =	stream.linear.gather [hbm4b:s31+s5], $0x280, $0x38;
	[tilespmem:$0x5580] =	vst v63  }
0x10: {  	s5 =	smul.u32 $0x280, s0;
	_ =	swait.ge [sflag:s3], $0x280  }
0x11: {  	[sflag:s3] =	ssyncset.done $0x0  }
0x12: {  	s6 =	sadd.s32 s5, s2;
	[sflag:s3] =	ssyncadd.s32 $0xFFFFFD80  }
0x13: {  	[spmem:s6] =	stream.linear.scatter [tilespmem:s8], [sflag:$0x1], $0x280, $0x38;
	[tilespmem:$0x5580] =	vst v63  }
0x14: {  	_ =	swait.ge [sflag:s3], $0x280  }
0x15: {  	[sflag:s3] =	ssyncset.done $0x0  }
0x16: {  	[sflag:s3] =	ssyncadd.s32 $0xFFFFFD80  }
0x17: {  	s9 =	simm.s32 $0x0;
	s8 =	simm.s32 $0x7D;
	[bflag:$0x0] =	sbarrier.arrive $0xFFFF  }
0x18: {  	[spmem:s2] =	stream.indirect.scatter.add.f32 [tilespmem:s4], [sflag:$0x1], $0x1, s9, s8, $0xb8;
	[tilespmem:$0x5580] =	vst v63  }
0x19: {  	_ =	swait.ge [sflag:s3], $0x7D  }
0x1a: {  	s7 =	sadd.s32 $0x22200, s7;
	s9 =	simm.s32 $0x200;
	[sflag:s3] =	ssyncset.done $0x0  }
.LBB2_1:
0x1b: {  	s10 =	sshra.s32 s9, $0x2;
	[sflag:s3] =	ssyncadd.s32 $0xFFFFFF83;
	p0 =	sne.s32 s9, $0x13E00  }
0x1c: {  	[spmem:s2] =	stream.indirect.scatter.add.f32 [tilespmem:s4], [sflag:$0x1], $0x1, s10, s8, $0xb8;
	[tilespmem:$0x5580] =	vst v63  }
.Ltmp0:
0x1d: {  	_ = 	snop;
	(pc) =	sbr.rel @p0 .LBB2_1-.Ltmp0, $4  }
0x1e: {  	_ = 	snop  }
0x1f: {  	s9 =	sadd.s32 $0x200, s9  }
0x20: {  	_ =	swait.ge [sflag:s3], $0x7D  }
0x21: {  	[sflag:s3] =	ssyncset.done $0x0  }
0x22: {  	[sflag:s3] =	ssyncadd.s32 $0xFFFFFF83  }
0x23: {  	s2 =	simm.s32 $0x5080;
	s30 =	simm.s32 $0x1;
	[bflag:$0x0] =	sbarrier.arrive $0xFFFF  }
0x24: {  	[tilespmem:s2], [sflag:$0x1] =	stream.linear.gather [spmem:s6], $0x280, $0x38;
	[tilespmem:$0x5580] =	vst v63  }
0x25: {  	_ =	swait.ge [sflag:s30], $0x280  }
0x26: {  	s4 =	sshrl.u32 s5, $0x3;
	[sflag:s30] =	ssyncset.done $0x0  }
0x27: {  	s31 =	simm.s32 $0x0;
	s4 =	sadd.s32 s7, s4;
	[sflag:s30] =	ssyncadd.s32 $0xFFFFFD80  }
0x28: {  	[hbm4b:s4+s31] =	stream.linear.scatter [tilespmem:s2], [sflag:$0x1], $0x280, $0x38;
	[tilespmem:$0x5580] =	vst v63  }
0x29: {  	_ =	swait.ge [sflag:s30], $0x280  }
0x2a: {  	[sflag:s30] =	ssyncset.done $0x0  }
0x2b: {  	[sflag:s30] =	ssyncadd.s32 $0xFFFFFD80  }
0x2c: {  	_ =	sfence.sel $0x180000  }
0x2d: {  	[bflag:$0x0] =	sbarrier.arrive $0xFFFF  }
0x2e: {  	p0 =	sne.s32 s0, $0x0;
	_ =	strace $0x90000047  }
0x2f: {  	s0 =	sadd.s32 @!p0 $0x100000, s1;
	[bflag:$0x2] =	sbarrier.arrive $0xFFFF  }
0x30: {  	[sflag:s0] =	ssyncadd.tile.s32 @!p0 $0x1;
	_ =	shalt  }
.Lfunc_end2:
_tile_overlayer_lowered:
.L_overlay_start_2:
0x31: {  	(tag) =	ssettag $0x2  }
0x32: {  	s0 =	rddreg [dreg:$0x0];
	s2 =	stileid.u32  }
0x33: {  	s1 =	rddreg [dreg:$0x1];
	p0 =	sne.s32 s2, $0x0  }
0x34: {  	s3 =	rddreg [dreg:$0x2];
	[bflag:$0x3] =	sbarrier.arrive $0xFFFF;
	s2 =	simm.s32 @!p0 $0x1C01  }
0x35: {  	[timem:s3], [sflag:s2] =	dma.local @!p0 [hbm:s0], s1  }
0x36: {  	s0 =	simm.s32 @!p0 $0x1  }
0x37: {  	_ =	swait.ge @!p0 [sflag:s0], s1  }
0x38: {  	s1 =	ssub.s32 @!p0 $0x0, s1;
	[sflag:s0] =	ssyncset.done @!p0 $0x0  }
0x39: {  	[sflag:s0] =	ssyncadd.s32 @!p0 s1  }
0x3a: {  	[bflag:$0x3] =	sbarrier.arrive $0xFFFF  }
0x3b: {  	_ =	shalt  }

// kernel: kernel.9.cloned.1.call-start
scs
__scs_entry_jumppad:
0x0: {  	(pc) =	sbr.rel $0x88, $3  }
0x1: {  	(tag) =	ssettag $0x0;
	lr =	simm.s32 $0x1  }
0x2: {  	[smem:$0x3F89] =	sst lr;
	_ =	strace $0xD0000000  }
0x3: {  	_ = 	snop  }
0x4: {  	_ = 	snop  }
0x5: {  	_ = 	snop  }
0x6: {  	_ = 	snop  }
0x7: {  	_ = 	snop  }
__scs_overlays_trampoline_lowered:
0x8: {  	[smem:$0x3F98] =	sst s0  }
0x9: {  	[smem:$0x3F99] =	sst s1  }
0xa: {  	[smem:$0x3F9A] =	sst s2  }
0xb: {  	[smem:$0x3F9B] =	sst s3  }
0xc: {  	[smem:$0x3F9C] =	sst s4  }
0xd: {  	[smem:$0x3F9D] =	sst s5  }
0xe: {  	[smem:$0x3F9E] =	sst s6  }
0xf: {  	[smem:$0x3F9F] =	sst s7  }
0x10: {  	[smem:$0x3FA0] =	sst s8  }
0x11: {  	[smem:$0x3FA1] =	sst s9;
	s0 =	simm.s32 @!p0 $0x0  }
0x12: {  	s1 =	sld [smem:$0x3F87];
	s0 =	simm.s32 @p0 $0x1  }
0x13: {  	[smem:$0x3FA2] =	sst s0;
	s0 =	simm.s32 @!p1 $0x0  }
0x14: {  	s2 =	sld [smem:$0x3F86];
	s0 =	simm.s32 @p1 $0x1  }
0x15: {  	[smem:$0x3FA3] =	sst s0;
	s0 =	simm.s32 @!p2 $0x0  }
0x16: {  	s3 =	sld [smem:$0x3FDB];
	s0 =	simm.s32 @p2 $0x1  }
0x17: {  	s4 =	simm.s32 $0x1BF5;
	[smem:$0x3FA5] =	sst s0  }
0x18: {  	s0 =	sld [smem:$0x3F88];
	_ =	swait.ge [sflag:s4], $0x0  }
0x19: {  	s7 =	sld [smem:$0x3F89]  }
0x1a: {  	s8 =	sadd.s32 $0xFFFFE003, lr  }
0x1b: {  	s9 =	sadd.s32 $0xFFFFFEF7, lr;
	s5 =	simm.s32 $0xFFFFFFFF;
	p2 =	slt.u32 s8, $0xFFFFF086  }
0x1c: {  	p1 =	slt.u32 s9, $0xF7A;
	s5 =	simm.s32 @!p2 $0x0  }
0x1d: {  	s5 =	simm.s32 @p1 $0x1;
	p0 =	seq.s32 s7, s2  }
0x1e: {  	s7 =	smul.u32 @!p0 $0xF7A, s2;
	p2 =	seq.s32 @!p0 s5, $0x0  }
0x1f: {  	s9 =	smul.u32 $0xF7A, s1;
	s8 =	simm.s32 @!p0 $0x1BF5;
	p2 =	por !p2, p0  }
0x20: {  	[sflag:s8] =	ssyncset.s32 @!p0 $0xFFFFF086;
	s6 =	sadd.s32 @!p0 s3, s7;
	s7 =	simm.s32 @!p0 $0x108  }
0x21: {  	s3 =	sadd.s32 s3, s9;
	s6 =	sadd.s32 @!p0 $0x88, s6;
	s7 =	simm.s32 @p2 $0x1082  }
0x22: {  	[simem:s7], [sflag:s8] =	dma.local @!p0 [hbm:s6], $0xF7A  }
0x23: {  	s9 =	sor.u32 $0xD0000000, s2;
	s6 =	simm.s32 $0x108;
	_ =	swait.ge @!p0 [sflag:s8], $0x0  }
0x24: {  	s3 =	sadd.s32 $0x88, s3;
	s6 =	simm.s32 @!p1 $0x1082;
	[sflag:s4] =	ssyncset.s32 $0xFFFFF086  }
0x25: {  	[simem:s6], [sflag:s4] =	dma.local [hbm:s3], $0xF7A  }
0x26: {  	[smem:$0x3F89] =	sst s1;
	(tag) =	ssettag s2;
	_ =	strace s9  }
0x27: {  	s1 =	sld [smem:$0x3F99]  }
0x28: {  	s2 =	sld [smem:$0x3F9A]  }
0x29: {  	s4 =	sld [smem:$0x3F9C]  }
0x2a: {  	p0 =	seq.s32 s5, $0x0;
	s5 =	sld [smem:$0x3F9D]  }
0x2b: {  	s6 =	sld [smem:$0x3F9E]  }
0x2c: {  	s7 =	sld [smem:$0x3F9F]  }
0x2d: {  	s3 =	simm.s32 $0x108;
	s8 =	sld [smem:$0x3FA0]  }
0x2e: {  	s3 =	simm.s32 @!p0 $0x1082;
	s9 =	sld [smem:$0x3FA1]  }
0x2f: {  	lr =	sadd.s32 s0, s3;
	s0 =	sld [smem:$0x3F98]  }
0x30: {  	s3 =	sld [smem:$0x3F9B]  }
0x31: {  	[smem:$0x3FA4] =	sst s10  }
0x32: {  	s10 =	sld [smem:$0x3FA2];
	_ =	sdelay $0x3  }
0x33: {  	p0 =	seq.s32 s10, $0x1;
	s10 =	sld [smem:$0x3FA4];
	_ =	sdelay $0x3  }
0x34: {  	[smem:$0x3FA4] =	sst s10  }
0x35: {  	s10 =	sld [smem:$0x3FA3];
	_ =	sdelay $0x3  }
0x36: {  	p1 =	seq.s32 s10, $0x1;
	s10 =	sld [smem:$0x3FA4];
	_ =	sdelay $0x3  }
0x37: {  	[smem:$0x3FA4] =	sst s10  }
0x38: {  	s10 =	sld [smem:$0x3FA5]  }
0x39: {  	_ = 	snop;
	(pc) =	sbr.ind lr, $3  }
0x3a: {  	_ = 	snop  }
0x3b: {  	_ = 	snop  }
0x3c: {  	p2 =	seq.s32 s10, $0x1;
	s10 =	sld [smem:$0x3FA4]  }
0x3d: {  	_ =	shalt  }
0x3e: {  	_ =	shalt  }
0x3f: {  	_ =	shalt  }
0x40: {  	_ =	shalt  }
0x41: {  	_ =	shalt  }
0x42: {  	_ =	shalt  }
0x43: {  	_ =	shalt  }
0x44: {  	_ =	shalt  }
0x45: {  	_ =	shalt  }
0x46: {  	_ =	shalt  }
0x47: {  	_ =	shalt  }
0x48: {  	_ =	shalt  }
0x49: {  	_ =	shalt  }
0x4a: {  	_ =	shalt  }
0x4b: {  	_ =	shalt  }
0x4c: {  	_ =	shalt  }
0x4d: {  	_ =	shalt  }
0x4e: {  	_ =	shalt  }
0x4f: {  	_ =	shalt  }
0x50: {  	_ =	shalt  }
0x51: {  	_ =	shalt  }
0x52: {  	_ =	shalt  }
0x53: {  	_ =	shalt  }
0x54: {  	_ =	shalt  }
0x55: {  	_ =	shalt  }
0x56: {  	_ =	shalt  }
0x57: {  	_ =	shalt  }
0x58: {  	_ =	shalt  }
0x59: {  	_ =	shalt  }
0x5a: {  	_ =	shalt  }
0x5b: {  	_ =	shalt  }
0x5c: {  	_ =	shalt  }
0x5d: {  	_ =	shalt  }
0x5e: {  	_ =	shalt  }
0x5f: {  	_ =	shalt  }
0x60: {  	_ =	shalt  }
0x61: {  	_ =	shalt  }
0x62: {  	_ =	shalt  }
0x63: {  	_ =	shalt  }
0x64: {  	_ =	shalt  }
0x65: {  	_ =	shalt  }
0x66: {  	_ =	shalt  }
0x67: {  	_ =	shalt  }
0x68: {  	_ =	shalt  }
0x69: {  	_ =	shalt  }
0x6a: {  	_ =	shalt  }
0x6b: {  	_ =	shalt  }
0x6c: {  	_ =	shalt  }
0x6d: {  	_ =	shalt  }
0x6e: {  	_ =	shalt  }
0x6f: {  	_ =	shalt  }
0x70: {  	_ =	shalt  }
0x71: {  	_ =	shalt  }
0x72: {  	_ =	shalt  }
0x73: {  	_ =	shalt  }
0x74: {  	_ =	shalt  }
0x75: {  	_ =	shalt  }
0x76: {  	_ =	shalt  }
0x77: {  	_ =	shalt  }
0x78: {  	_ =	shalt  }
0x79: {  	_ =	shalt  }
0x7a: {  	_ =	shalt  }
0x7b: {  	_ =	shalt  }
0x7c: {  	_ =	shalt  }
0x7d: {  	_ =	shalt  }
0x7e: {  	_ =	shalt  }
0x7f: {  	_ =	shalt  }
0x80: {  	_ =	shalt  }
0x81: {  	_ =	shalt  }
0x82: {  	_ =	shalt  }
0x83: {  	_ =	shalt  }
0x84: {  	_ =	shalt  }
0x85: {  	_ =	shalt  }
0x86: {  	_ =	shalt  }
0x87: {  	_ =	shalt  }
.Lfunc_end0:
.L_simem_size_0:
called_computation.2_lowered:
.L_overlay_start_0:
0x88: {  	s2 =	sld [smem:$0x3FD9]  }
0x89: {  	s3 =	sld [smem:$0x3FFE];
	_ =	sdelay $0x1  }
0x8a: {  	s1 =	srdreg.scid  }
0x8b: {  	s0 =	sand.u32 $0x1, s1  }
0x8c: {  	s17 =	sshll.u32 s0, $0xA;
	s2 =	sadd.s32 s3, s2  }
0x8d: {  	s2 =	sadd.s32 s2, s17  }
0x8e: {  	[smem:$0x3FB0] =	sst s2  }
0x8f: {  	_ = 	snop  }
0x90: {  	s2 =	sld [smem:$0x3FD0];
	(tm) =	ssettm $0x1  }
0x91: {  	s18 =	sld [smem:$0x3FFB];
	_ =	sdelay $0x3  }
0x92: {  	_ =	strace s18  }
0x93: {  	s3 =	sld [smem:$0x3FFC];
	_ =	sdelay $0x3  }
0x94: {  	_ =	strace s3  }
0x95: {  	s3 =	sld [smem:$0x3FFD];
	_ =	sdelay $0x3  }
0x96: {  	_ =	strace s3  }
0x97: {  	_ =	strace $0x8FFFFFFF  }
0x98: {  	s19 =	sld [smem:$0x3FDB];
	_ =	sdelay $0x1  }
0x99: {  	s4 =	simm.s32 $_scs_section_size  }
0x9a: {  	s5 =	simm.s32 $_size__tile_overlayer_lowered;
	s6 =	simm.s32 $_tile_overlayer_lowered  }
0x9b: {  	s22 =	simm.s32 $0x1BFF;
	s21 =	sshll.u32 s6, $0x1;
	s3 =	sadd.s32 s4, s19  }
0x9c: {  	s7 =	simm.s32 $0x0;
	s20 =	sshll.u32 s5, $0x1;
	s5 =	sadd.s32 s21, s3  }
0x9d: {  	[timem:s7], [sflag:s22] =	dma.local [hbm:s5], s20  }
0x9e: {  	_ =	swait.ge [sflag:s22], s20  }
0x9f: {  	s4 =	ssub.s32 $0x0, s20;
	[sflag:s22] =	ssyncset.done $0x0  }
0xa0: {  	[sflag:s22] =	ssyncadd.s32 s4;
	_ =	sdelay $0x1  }
0xa1: {  	s23 =	simm.s32 $0x1B8B  }
0xa2: {  	_ =	swait.ge [sflag:s23], $0x1  }
0xa3: {  	[sflag:s23] =	ssyncset.done $0x0  }
0xa4: {  	s25 =	simm.s32 $0x1B8E;
	s24 =	sld [smem:$0x3FFE];
	[sflag:s23] =	ssyncadd.s32 $0xFFFFFFFF  }
0xa5: {  	s26 =	simm.s32 $execute0_lowered;
	[smem:$0x3FD2] =	sst s25  }
0xa6: {  	s5 =	sshll.u32 s26, $0x1;
	_ =	strace $0x80000049;
	[dreg:$0x1] =	wrdreg $0xFFFFFFFF  }
0xa7: {  	s28 =	simm.s32 $_size_execute0_lowered;
	s3 =	sadd.s32 s3, s5;
	[dreg:$0x0] =	wrdreg $0x0  }
0xa8: {  	s5 =	sshll.u32 s28, $0x1;
	[dreg:$0x2] =	wrdreg s3  }
0xa9: {  	[dreg:$0x3] =	wrdreg s5  }
0xaa: {  	[dreg:$0x4] =	wrdreg $0xC0  }
0xab: {  	_ =	task [dreg:s7], $0x5FFFF  }
0xac: {  	[dreg:$0x1] =	wrdreg $0xFFFFFFFF  }
0xad: {  	[dreg:$0x0] =	wrdreg $0x60  }
0xae: {  	[dreg:$0x2] =	wrdreg s24  }
0xaf: {  	[dreg:$0x3] =	wrdreg s2  }
0xb0: {  	[dreg:$0x4] =	wrdreg $0x9  }
0xb1: {  	_ =	task.clear_ibuf [dreg:s7], $0x5FFFF;
	_ =	strace $0x90000049  }
0xb2: {  	s29 =	simm.s32 $0x9;
	_ =	strace $0x8000004B  }
0xb3: {  	_ =	swait.ge [sflag:s29], $0x1  }
0xb4: {  	[sflag:s29] =	ssyncadd.s32 $0xFFFFFFFF  }
0xb5: {  	_ =	strace $0x9000004B  }
0xb6: {  	_ =	sfence  }
0xb7: {  	s30 =	sld [smem:$0x0];
	_ =	sdelay $0x2  }
0xb8: {  	s31 =	sshll.u32 s1, $0xD;
	s1 =	sshrl.u32 s1, $0x2  }
0xb9: {  	s3 =	sand.u32 $0x4000, s31;
	s1 =	sadd.s32 s1, s30  }
0xba: {  	s0 =	sor.u32 s3, s0;
	s1 =	sshll.u32 s1, $0x11  }
0xbb: {  	s0 =	sor.u32 s1, s0  }
0xbc: {  	s0 =	sadd.s32 $0x8F2B, s0  }
0xbd: {  	[sflag:s0] =	ssyncadd.remote.s32 $0x1  }
0xbe: {  	_ =	sfence.sel $0xFFFF  }
0xbf: {  	[dreg:$0x0] =	wrdreg $0xFFFFFFFF;
	(pc) =	sbr.abs _section_cstart, $3  }
0xc0: {  	[dreg:$0x1] =	wrdreg $0xFFFFFFFF  }
0xc1: {  	_ =	task.clear_ibuf [dreg:s7], $0x2FFFF;
	_ =	strace $0x9FFFFFFF  }
0xc2: {  	(tm) =	ssettm $0x7FFFFFFF  }
0xc3: {  	_ =	shalt  }
tec
execute0_lowered:
.L_overlay_start_1:
0x0: {  	(tag) =	ssettag $0x1  }
0x1: {  	s0 =	srdreg.scid;
	s4 =	rddreg [dreg:$0x0]  }
0x2: {  	s6 =	rddreg [dreg:$0x1];
	s3 =	sand.u32 $0x1, s0  }
0x3: {  	s2 =	simm.s32 $0x0;
	s0 =	stileid.u32;
	s1 =	sshll.u32 s3, $0x4  }
0x4: {  	s11 =	simm.s32 $0x13A00;
	s12 =	simm.s32 $0x0;
	s5 =	sor.u32 s0, s1  }
0x5: {  	[smem:$0x7FF] =	sst s2;
	s31 =	ssub.s32 $0x2, s3;
	s7 =	smul.u32 $0x4E2, s5  }
0x6: {  	s3 =	sadd.s32 $0x17E00, s4;
	s9 =	sshrl.u32 s31, $0x1;
	s8 =	smul.u32 $0x9C4, s5  }
0x7: {  	v0 =	vlaneseq.u32;
	s1 =	rddreg [dreg:$0x2];
	_ =	strace $0x8000004A;
	s9 =	ssub.s32 s31, s9  }
0x8: {  	v0 =	vmul.u32 $0x2, v0;
	s7 =	sadd.s32 s7, s4;
	s10 =	sadd.s32 s8, s4;
	s6 =	sadd.s32 s6, s8  }
0x9: {  	s8 =	smax.u32 s9, $0x1;
	s9 =	simm.s32 $0x1;
	s4 =	sadd.s32 $0x4200, s7  }
0xa: {  	v1 =	vor.u32 $0x1, v0;
	s5 =	sadd.s32 $0xE000, s7;
	s7 =	sadd.s32 $0x19200, s10;
	s10 =	simm.s32 $0xEB80  }
.LBB2_1:
0xb: {  	[tilespmem:s2], [sflag:$0x1] =	stream.linear.gather [hbm4b:s3+s2], $0x9C80, $0x38;
	[tilespmem:$0x18880] =	vst v63  }
0xc: {  	_ =	swait.ge [sflag:s9], $0x9C80  }
0xd: {  	[sflag:s9] =	ssyncset.done $0x0  }
0xe: {  	s13 =	simm.s32 $0x9C80;
	[sflag:s9] =	ssyncadd.s32 $0xFFFF6380  }
0xf: {  	[tilespmem:s13], [sflag:$0x1] =	stream.linear.gather [hbm4b:s4+s2], $0x2710, $0x38;
	[tilespmem:$0x18880] =	vst v63  }
0x10: {  	_ =	swait.ge [sflag:s9], $0x2710  }
0x11: {  	[sflag:s9] =	ssyncset.done $0x0  }
0x12: {  	s14 =	simm.s32 $0xC400;
	[sflag:s9] =	ssyncadd.s32 $0xFFFFD8F0  }
0x13: {  	[tilespmem:s14], [sflag:$0x1] =	stream.linear.gather [hbm4b:s5+s2], $0x2710, $0x38;
	[tilespmem:$0x18880] =	vst v63  }
0x14: {  	_ =	swait.ge [sflag:s9], $0x2710  }
0x15: {  	[sflag:s9] =	ssyncset.done $0x0  }
0x16: {  	[sflag:s9] =	ssyncadd.s32 $0xFFFFD8F0  }
0x17: {  	[tilespmem:s10], [sflag:$0x1] =	stream.linear.gather [hbm4b:s6+s2], $0x4E20, $0x38;
	[tilespmem:$0x18880] =	vst v63  }
0x18: {  	_ =	swait.ge [sflag:s9], $0x4E20  }
0x19: {  	[sflag:s9] =	ssyncset.done $0x0  }
0x1a: {  	[sflag:s9] =	ssyncadd.s32 $0xFFFFB1E0  }
0x1b: {  	v3 =	vld [tilespmem:s13+$0x0]  }
0x1c: {  	v2 =	vld [tilespmem:s14+$0x0]  }
0x1d: {  	s16 =	simm.s32 $0x20;
	s15 =	simm.s32 $0x0  }
.LBB2_2:
0x1e: {  	p0 =	sne.s32 s16, $0x4E00;
	_ =	sdelay $0x1  }
0x1f: {  	v3 =	vshll.u32 v3, $0x2  }
0x20: {  	v4 =	vor.u32 $0x1, v3;
	v2 =	vshll.u32 v2, $0x2  }
0x21: {  	v5 =	vor.u32 $0x2, v2  }
0x22: {  	v2 =	vor.u32 $0x3, v2  }
0x23: {  	v6 =	vor.u32 s15, v0  }
0x24: {  	v7 =	vor.u32 s15, v1;
	s15 =	smov.u32 s16;
	v3 =	vld.idx.msk [tilespmem:v3+s2+$0x0], $0xffff  }
0x25: {  	v4 =	vld.idx.msk [tilespmem:v4+s2+$0x0], $0xffff  }
0x26: {  	v5 =	vld.idx.msk [tilespmem:v5+s2+$0x0], $0xffff  }
0x27: {  	v2 =	vld.idx.msk [tilespmem:v2+s2+$0x0], $0xffff  }
0x28: {  	v8 =	vld.idx.msk [tilespmem:v6+s10+$0x0], $0xffff  }
0x29: {  	v9 =	vld.idx.msk [tilespmem:v7+s10+$0x0], $0xffff;
	_ =	sdelay $0x2  }
0x2a: {  	v3 =	vadd.f32 v5, v3  }
0x2b: {  	v2 =	vadd.f32 v2, v4  }
0x2c: {  	v3 =	vadd.f32 v8, v3  }
0x2d: {  	v2 =	vadd.f32 v9, v2  }
.Ltmp0:
0x2e: {  	[tilespmem:v6+s11+$0x0] =	vst.idx.msk $0xffff, v3;
	(pc) =	sbr.rel @p0 .LBB2_2-.Ltmp0, $4  }
0x2f: {  	s13 =	sadd.s32 $0x10, s13;
	[tilespmem:v7+s11+$0x0] =	vst.idx.msk $0xffff, v2  }
0x30: {  	s14 =	sadd.s32 $0x10, s14;
	v3 =	vld [tilespmem:s13+$0x0]  }
0x31: {  	v2 =	vld [tilespmem:s14+$0x0]  }
0x32: {  	s16 =	sadd.s32 $0x20, s16  }
0x33: {  	_ =	sdelay $0x1  }
0x34: {  	v3 =	vshll.u32 v3, $0x2  }
0x35: {  	v4 =	vor.u32 $0x1, v3;
	v2 =	vshll.u32 v2, $0x2  }
0x36: {  	v5 =	vor.u32 $0x2, v2  }
0x37: {  	v2 =	vor.u32 $0x3, v2  }
0x38: {  	v6 =	vor.u32 s15, v0  }
0x39: {  	v7 =	vor.u32 s15, v1;
	v3 =	vld.idx.msk [tilespmem:v3+s2+$0x0], $0xffff  }
0x3a: {  	v4 =	vld.idx.msk [tilespmem:v4+s2+$0x0], $0xffff  }
0x3b: {  	v5 =	vld.idx.msk [tilespmem:v5+s2+$0x0], $0xffff  }
0x3c: {  	v2 =	vld.idx.msk [tilespmem:v2+s2+$0x0], $0xffff  }
0x3d: {  	v8 =	vld.idx.msk [tilespmem:v6+s10+$0x0], $0xffff  }
0x3e: {  	v9 =	vld.idx.msk [tilespmem:v7+s10+$0x0], $0xffff;
	_ =	sdelay $0x1  }
0x3f: {  	v3 =	vadd.f32 v5, v3  }
0x40: {  	v2 =	vadd.f32 v2, v4  }
0x41: {  	v3 =	vadd.f32 v8, v3  }
0x42: {  	s12 =	sadd.s32 $0x1, s12;
	v2 =	vadd.f32 v9, v2  }
0x43: {  	p0 =	sne.s32 s12, s8;
	[tilespmem:v6+s11+$0x0] =	vst.idx.msk $0xffff, v3  }
.Ltmp1:
0x44: {  	[tilespmem:v7+s11+$0x0] =	vst.idx.msk $0xffff, v2;
	(pc) =	sbr.rel @p0 .LBB2_1-.Ltmp1, $4  }
0x45: {  	[hbm4b:s7+s2] =	stream.linear.scatter [tilespmem:s11], [sflag:$0x1], $0x4E20, $0x38;
	[tilespmem:$0x18880] =	vst v63  }
0x46: {  	_ =	swait.ge [sflag:s9], $0x4E20  }
0x47: {  	[sflag:s9] =	ssyncset.done $0x0  }
0x48: {  	[sflag:s9] =	ssyncadd.s32 $0xFFFFB1E0  }
0x49: {  	_ =	sfence.sel $0x180000  }
0x4a: {  	[bflag:$0x0] =	sbarrier.arrive $0xFFFF  }
0x4b: {  	p0 =	sne.s32 s0, $0x0;
	_ =	strace $0x9000004A  }
0x4c: {  	s0 =	sadd.s32 @!p0 $0x100000, s1;
	[bflag:$0x2] =	sbarrier.arrive $0xFFFF  }
0x4d: {  	[sflag:s0] =	ssyncadd.tile.s32 @!p0 $0x1;
	_ =	shalt  }
.Lfunc_end2:
_tile_overlayer_lowered:
.L_overlay_start_2:
0x4e: {  	(tag) =	ssettag $0x2  }
0x4f: {  	s0 =	rddreg [dreg:$0x0];
	s2 =	stileid.u32  }
0x50: {  	s1 =	rddreg [dreg:$0x1];
	p0 =	sne.s32 s2, $0x0  }
0x51: {  	s3 =	rddreg [dreg:$0x2];
	[bflag:$0x3] =	sbarrier.arrive $0xFFFF;
	s2 =	simm.s32 @!p0 $0x1C01  }
0x52: {  	[timem:s3], [sflag:s2] =	dma.local @!p0 [hbm:s0], s1  }
0x53: {  	s0 =	simm.s32 @!p0 $0x1  }
0x54: {  	_ =	swait.ge @!p0 [sflag:s0], s1  }
0x55: {  	s1 =	ssub.s32 @!p0 $0x0, s1;
	[sflag:s0] =	ssyncset.done @!p0 $0x0  }
0x56: {  	[sflag:s0] =	ssyncadd.s32 @!p0 s1  }
0x57: {  	[bflag:$0x3] =	sbarrier.arrive $0xFFFF  }
0x58: {  	_ =	shalt  }

</sc_bundles>
